<compile_context>
chip_gen: v7x
topology: tpu7x:2x2x1
jax: 0.10.2.dev20260603
libtpu: 0.0.44.dev20260713+nightly
codegen_flags: <defaults>
</compile_context>

<pallas_src>
import functools

import jax
import jax.numpy as jnp
from jax import lax
from jax.experimental import pallas as pl
from jax.experimental.pallas import tpu as pltpu
from jax.experimental.pallas import tpu_sc as plsc

NC = 2
NS = 16
LANES = 16
CHUNK = 128
HALF = 128



def _mm_body(x_ref, w_ref, b_ref, tlo_ref, thi_ref, root_ref):
    o = jnp.dot(x_ref[...], w_ref[...], preferred_element_type=jnp.float32)
    d = tlo_ref.shape[1]
    tlo_ref[...] = o[:, :d]
    thi_ref[...] = o[:, d:2 * d]
    root_ref[...] = o[:, 2 * d:] + b_ref[...]


def _matmul(x, wcat, bias_row, bn):
    n, d_in = x.shape
    d_out = bias_row.shape[1]
    grid = n // bn
    return pl.pallas_call(
        _mm_body,
        grid=(grid,),
        in_specs=[
            pl.BlockSpec((bn, d_in), lambda i: (i, 0)),
            pl.BlockSpec((d_in, 2 * d_out), lambda i: (0, 0)),
            pl.BlockSpec((1, d_out), lambda i: (0, 0)),
        ],
        out_specs=[
            pl.BlockSpec((bn, HALF), lambda i: (i, 0)),
            pl.BlockSpec((bn, HALF), lambda i: (i, 0)),
            pl.BlockSpec((bn, d_out), lambda i: (i, 0)),
        ],
        out_shape=[
            jax.ShapeDtypeStruct((n, HALF), jnp.float32),
            jax.ShapeDtypeStruct((n, HALF), jnp.float32),
            jax.ShapeDtypeStruct((n, d_out), jnp.float32),
        ],
    )(x, wcat, bias_row)



def _sc_aggregate(tlo, thi, edge_index, n_nodes, n_edges):
    n_pad = ((n_nodes + NS * CHUNK - 1) // (NS * CHUNK)) * (NS * CHUNK)
    rows_per_tile = n_pad // NS
    num_chunks = n_edges // CHUNK

    mesh = plsc.VectorSubcoreMesh(core_axis_name="c", subcore_axis_name="s")

    @functools.partial(
        pl.kernel,
        mesh=mesh,
        out_type=(
            jax.ShapeDtypeStruct((NC, n_pad, HALF), jnp.float32),
            jax.ShapeDtypeStruct((n_pad,), jnp.float32),
        ),
        scratch_types=[
            pltpu.VMEM_SHARED((n_pad, HALF), jnp.float32),
            pltpu.VMEM_SHARED((n_pad,), jnp.float32),
            pltpu.VMEM((1, CHUNK), jnp.int32),
            pltpu.VMEM((1, CHUNK), jnp.int32),
            pltpu.VMEM((CHUNK, HALF), jnp.float32),
            pltpu.VMEM((CHUNK,), jnp.float32),
            pltpu.SemaphoreType.DMA,
        ],
    )
    def agg_kernel(tlo_hbm, thi_hbm, edges_hbm, agg_hbm, deg_hbm,
                   agg_s, deg_s, ridx, cidx, msgs, ones, sem):
        c = lax.axis_index("c")
        t = lax.axis_index("s")
        r0 = t * rows_per_tile

        def zrow(r, _):
            def zcol(j, _):
                msgs[r, pl.ds(j * LANES, LANES)] = jnp.zeros(
                    (LANES,), jnp.float32)
                return 0
            return lax.fori_loop(0, HALF // LANES, zcol, 0)
        lax.fori_loop(0, CHUNK, zrow, 0)

        def zon(j, _):
            ones[pl.ds(j * LANES, LANES)] = jnp.zeros((LANES,), jnp.float32)
            return 0
        lax.fori_loop(0, CHUNK // LANES, zon, 0)

        for b in range(rows_per_tile // CHUNK):
            pltpu.sync_copy(msgs, agg_s.at[pl.ds(r0 + b * CHUNK, CHUNK)])
            pltpu.sync_copy(ones, deg_s.at[pl.ds(r0 + b * CHUNK, CHUNK)])

        def son(j, _):
            ones[pl.ds(j * LANES, LANES)] = jnp.ones((LANES,), jnp.float32)
            return 0
        lax.fori_loop(0, CHUNK // LANES, son, 0)

        plsc.subcore_barrier()

        nk = (num_chunks - t + NS - 1) // NS

        def ebody(k, _):
            base = (t + k * NS) * CHUNK
            pltpu.sync_copy(edges_hbm.at[0, pl.ds(base, CHUNK)], ridx.at[0])
            pltpu.sync_copy(edges_hbm.at[1, pl.ds(base, CHUNK)], cidx.at[0])

            @pl.when(c == 0)
            def _():
                pltpu.async_copy(tlo_hbm.at[cidx.at[0]], msgs, sem).wait()

            @pl.when(c == 1)
            def _():
                pltpu.async_copy(thi_hbm.at[cidx.at[0]], msgs, sem).wait()

            pltpu.sync_copy(msgs, agg_s.at[ridx.at[0]], add=True)
            pltpu.sync_copy(ones, deg_s.at[ridx.at[0]], add=True)
            return 0
        lax.fori_loop(0, nk, ebody, 0)

        plsc.subcore_barrier()

        pltpu.sync_copy(agg_s.at[pl.ds(r0, rows_per_tile)],
                        agg_hbm.at[c, pl.ds(r0, rows_per_tile)])

        @pl.when(c == 0)
        def _():
            pltpu.sync_copy(deg_s.at[pl.ds(r0, rows_per_tile)],
                            deg_hbm.at[pl.ds(r0, rows_per_tile)])

    return agg_kernel(tlo, thi, edge_index)



def _fin_body(agg_ref, deg_ref, root_ref, out_ref):
    d = jnp.maximum(deg_ref[...], 1.0)
    a = jnp.concatenate([agg_ref[0], agg_ref[1]], axis=-1)
    out_ref[...] = a / d + root_ref[...]


def _finalize(agg, deg_col, root, bn):
    n, d_out = root.shape
    grid = n // bn
    return pl.pallas_call(
        _fin_body,
        grid=(grid,),
        in_specs=[
            pl.BlockSpec((NC, bn, HALF), lambda i: (0, i, 0)),
            pl.BlockSpec((bn, 1), lambda i: (i, 0)),
            pl.BlockSpec((bn, d_out), lambda i: (i, 0)),
        ],
        out_specs=pl.BlockSpec((bn, d_out), lambda i: (i, 0)),
        out_shape=jax.ShapeDtypeStruct((n, d_out), jnp.float32),
    )(agg, deg_col, root)



def kernel(x, edge_index, weight, root_weight, bias):
    n, _ = x.shape
    e = edge_index.shape[1]
    wcat = jnp.concatenate([weight, root_weight], axis=1)
    tlo, thi, root = _matmul(x, wcat, bias.reshape(1, -1), bn=1000)
    agg, deg = _sc_aggregate(tlo, thi, edge_index, n, e)
    return _finalize(agg, deg.reshape(-1, 1), root, bn=1000)

# --- scband reference (transcript-rebuilt; emitter-appended) ---
"""Pipeline reference for scband-gcn-89730456748747 (READ-ONLY COPY).

The authoritative reference and input builder live on the scoring server;
editing this copy changes nothing except your own understanding.
"""

import jax, jax.numpy as jnp
import numpy as np


def setup_inputs(seed: int = 0) -> dict:
    key = jax.random.key(seed)
    k1, k2, k3, k4, k5 = jax.random.split(key, 5)
    N, E, D_in, D_out = 10000, 160000, 256, 256
    x = jax.random.normal(k1, (N, D_in), dtype=jnp.float32)
    edge_index = jax.random.randint(k2, (2, E), 0, N, dtype=jnp.int32)
    stdv = 1.0 / np.sqrt(D_in)
    weight = jax.random.uniform(k3, (D_in, D_out), dtype=jnp.float32, minval=-stdv, maxval=stdv)
    root_weight = jax.random.uniform(k4, (D_in, D_out), dtype=jnp.float32, minval=-stdv, maxval=stdv)
    bias = jax.random.uniform(k5, (D_out,), dtype=jnp.float32, minval=-stdv, maxval=stdv)
    return {"x": x, "edge_index": edge_index, "weight": weight, "root_weight": root_weight, "bias": bias}


def reference(x, edge_index, weight, root_weight, bias):
    # Faithful translation of GCN.forward (eval mode: dropout p=0.0 is identity).
    row = edge_index[0]
    col = edge_index[1]
    N = x.shape[0]
    out = jnp.dot(x, weight)                      # [N, D_out]
    out_col = jnp.take(out, col, axis=0)          # gather messages from source nodes [E, D_out]
    agg = jax.ops.segment_sum(out_col, row, num_segments=N)   # scatter_add over dst nodes
    ones = jnp.ones((row.shape[0],), dtype=x.dtype)
    deg = jax.ops.segment_sum(ones, row, num_segments=N)      # degree counts
    agg = agg / jnp.clip(deg, 1.0, None)[:, None]
    out = agg + jnp.dot(x, root_weight)
    out = out + bias
    return out

if __name__ == "__main__":
    import jax
    _d = setup_inputs()
    print(jax.jit(kernel)(*tuple(_d.values())))

</pallas_src>

<mosaic_0001>
#map = affine_map<(d0, d1) -> (0, 0)>
#map1 = affine_map<(d0, d1) -> (0, 0, 0)>
#map2 = affine_map<(d0, d1) -> (0)>
module attributes {stable_mosaic.version = 14 : i64} {
  func.func @agg_kernel(%arg0: i32, %arg1: i32, %arg2: memref<10000x128xf32, #tpu.memory_space<hbm>>, %arg3: memref<10000x128xf32, #tpu.memory_space<hbm>>, %arg4: memref<2x160000xi32, #tpu.memory_space<hbm>>, %arg5: memref<2x10240x128xf32, #tpu.memory_space<hbm>>, %arg6: memref<10240xf32, #tpu.memory_space<hbm>>, %arg7: memref<10240x128xf32, #tpu.memory_space<vmem_shared>>, %arg8: memref<10240xf32, #tpu.memory_space<vmem_shared>>, %arg9: memref<1x128xi32, #tpu.memory_space<vmem>>, %arg10: memref<1x128xi32, #tpu.memory_space<vmem>>, %arg11: memref<128x128xf32, #tpu.memory_space<vmem>>, %arg12: memref<128xf32, #tpu.memory_space<vmem>>, %arg13: memref<!tpu.dma_semaphore, #tpu.memory_space<semaphore_mem>>) attributes {dimension_semantics = [#tpu.dimension_semantics<core_parallel>, #tpu.dimension_semantics<subcore_parallel>], iteration_bounds = array<i64: 2, 16>, scalar_prefetch = 0 : i64, scratch_operands = 7 : i64, tpu.core_type = #tpu.core_type<sc_vector_subcore>, window_params = [{transform_indices = #map}, {transform_indices = #map}, {transform_indices = #map}, {transform_indices = #map1}, {transform_indices = #map2}]} {
    %mul3A = arith.constant 640 : i32
    %mul3A_0 = arith.muli %arg1, %mul3A : i32
    %scan3A = arith.constant 0 : i32
    %scan3A_1 = arith.constant 0 : i32
    %scan3A_2 = arith.constant 128 : i32
    %scan3A_3 = arith.addi %scan3A_1, %scan3A_2 : i32
    %scan3A_4 = arith.constant 1 : i32
    %scan3A_5 = scf.for %scan3A_76 = %scan3A_1 to %scan3A_3 step %scan3A_4 iter_args(%scan3A_77 = %scan3A) -> (i32)  : i32 {
      %scan3A_78 = arith.constant 0 : i32
      %scan3A_79 = arith.constant 0 : i32
      %scan3A_80 = arith.constant 8 : i32
      %scan3A_81 = arith.addi %scan3A_79, %scan3A_80 : i32
      %scan3A_82 = arith.constant 1 : i32
      %scan3A_83 = scf.for %scan3A_85 = %scan3A_79 to %scan3A_81 step %scan3A_82 iter_args(%scan3A_86 = %scan3A_78) -> (i32)  : i32 {
        %broadcast_in_dim3A = arith.constant 0.000000e+00 : f32
        %broadcast_in_dim3A_87 = vector.broadcast %broadcast_in_dim3A : f32 to vector<16xf32>
        %mul3A_88 = arith.constant 16 : i32
        %mul3A_89 = arith.muli %scan3A_85, %mul3A_88 : i32
        %swap3A = arith.index_cast %scan3A_76 : i32 to index
        %swap3A_90 = arith.index_cast %mul3A_89 : i32 to index
        %swap3A_91 = tpu.vector_load %arg11[%swap3A, %swap3A_90] {strides = array<i32>} : memref<128x128xf32, #tpu.memory_space<vmem>>, vector<1x16xf32>,
        %swap3A_92 = vector.shape_cast %swap3A_91 : vector<1x16xf32> to vector<16xf32>
        %swap3A_93 = vector.shape_cast %broadcast_in_dim3A_87 : vector<16xf32> to vector<1x16xf32>
        tpu.vector_store %arg11[%swap3A, %swap3A_90], %swap3A_93 {strides = array<i32>} : memref<128x128xf32, #tpu.memory_space<vmem>>, vector<1x16xf32>,
        %scan3A_94 = arith.constant 0 : i32
        scf.yield %scan3A_94 : i32
      }
      %scan3A_84 = arith.constant 8 : i32
      scf.yield %scan3A_83 : i32
    }
    %scan3A_6 = arith.constant 128 : i32
    %scan3A_7 = arith.constant 0 : i32
    %scan3A_8 = arith.constant 0 : i32
    %scan3A_9 = arith.constant 8 : i32
    %scan3A_10 = arith.addi %scan3A_8, %scan3A_9 : i32
    %scan3A_11 = arith.constant 1 : i32
    %scan3A_12 = scf.for %scan3A_76 = %scan3A_8 to %scan3A_10 step %scan3A_11 iter_args(%scan3A_77 = %scan3A_7) -> (i32)  : i32 {
      %broadcast_in_dim3A = arith.constant 0.000000e+00 : f32
      %broadcast_in_dim3A_78 = vector.broadcast %broadcast_in_dim3A : f32 to vector<16xf32>
      %mul3A_79 = arith.constant 16 : i32
      %mul3A_80 = arith.muli %scan3A_76, %mul3A_79 : i32
      %swap3A = arith.index_cast %mul3A_80 : i32 to index
      %swap3A_81 = tpu.vector_load %arg12[%swap3A] {strides = array<i32>} : memref<128xf32, #tpu.memory_space<vmem>>, vector<16xf32>,
      %swap3A_82 = vector.shape_cast %swap3A_81 : vector<16xf32> to vector<16xf32>
      %swap3A_83 = vector.shape_cast %broadcast_in_dim3A_78 : vector<16xf32> to vector<16xf32>
      tpu.vector_store %arg12[%swap3A], %swap3A_83 {strides = array<i32>} : memref<128xf32, #tpu.memory_space<vmem>>, vector<16xf32>,
      %scan3A_84 = arith.constant 0 : i32
      scf.yield %scan3A_84 : i32
    }
    %scan3A_13 = arith.constant 8 : i32
    %add3A = arith.constant 0 : i32
    %add3A_14 = arith.addi %mul3A_0, %add3A : i32
    "tpu.region"() ({
      %run_scoped3A = tpu.sem_alloc : memref<!tpu.dma_semaphore, #tpu.memory_space<semaphore_mem>>
      %dma_start3A = arith.constant 0 : i32
      %dma_start3A_76 = tpu.memref_slice %arg7[%add3A_14, %dma_start3A] : memref<10240x128xf32, #tpu.memory_space<vmem_shared>> -> memref<128x128xf32, #tpu.memory_space<vmem_shared>>
      %dma_start3A_77 = arith.constant 0 : i32
      %dma_start3A_78 = tpu.memref_slice %arg7[%add3A_14, %dma_start3A_77] : memref<10240x128xf32, #tpu.memory_space<vmem_shared>> -> memref<128x128xf32, #tpu.memory_space<vmem_shared>>
      tpu.enqueue_dma source(%arg11 : memref<128x128xf32, #tpu.memory_space<vmem>>) target(%dma_start3A_78 : memref<128x128xf32, #tpu.memory_space<vmem_shared>>) target_semaphore(%run_scoped3A : memref<!tpu.dma_semaphore, #tpu.memory_space<semaphore_mem>>)
      %dma_wait3A = arith.constant 0 : i32
      %dma_wait3A_79 = tpu.memref_slice %arg7[%add3A_14, %dma_wait3A] : memref<10240x128xf32, #tpu.memory_space<vmem_shared>> -> memref<128x128xf32, #tpu.memory_space<vmem_shared>>
      %dma_wait3A_80 = arith.constant 0 : i32
      %dma_wait3A_81 = tpu.memref_slice %arg7[%add3A_14, %dma_wait3A_80] : memref<10240x128xf32, #tpu.memory_space<vmem_shared>> -> memref<128x128xf32, #tpu.memory_space<vmem_shared>>
      tpu.wait_dma2 semaphore(%run_scoped3A : memref<!tpu.dma_semaphore, #tpu.memory_space<semaphore_mem>>) src(%arg11 : memref<128x128xf32, #tpu.memory_space<vmem>>) dst(%dma_wait3A_81 : memref<128x128xf32, #tpu.memory_space<vmem_shared>>)
      tpu.yield
    }) : () -> ()
    %add3A_15 = arith.constant 0 : i32
    %add3A_16 = arith.addi %mul3A_0, %add3A_15 : i32
    "tpu.region"() ({
      %run_scoped3A = tpu.sem_alloc : memref<!tpu.dma_semaphore, #tpu.memory_space<semaphore_mem>>
      %dma_start3A = tpu.memref_slice %arg8[%add3A_16] : memref<10240xf32, #tpu.memory_space<vmem_shared>> -> memref<128xf32, #tpu.memory_space<vmem_shared>>
      %dma_start3A_76 = tpu.memref_slice %arg8[%add3A_16] : memref<10240xf32, #tpu.memory_space<vmem_shared>> -> memref<128xf32, #tpu.memory_space<vmem_shared>>
      tpu.enqueue_dma source(%arg12 : memref<128xf32, #tpu.memory_space<vmem>>) target(%dma_start3A_76 : memref<128xf32, #tpu.memory_space<vmem_shared>>) target_semaphore(%run_scoped3A : memref<!tpu.dma_semaphore, #tpu.memory_space<semaphore_mem>>)
      %dma_wait3A = tpu.memref_slice %arg8[%add3A_16] : memref<10240xf32, #tpu.memory_space<vmem_shared>> -> memref<128xf32, #tpu.memory_space<vmem_shared>>
      %dma_wait3A_77 = tpu.memref_slice %arg8[%add3A_16] : memref<10240xf32, #tpu.memory_space<vmem_shared>> -> memref<128xf32, #tpu.memory_space<vmem_shared>>
      tpu.wait_dma2 semaphore(%run_scoped3A : memref<!tpu.dma_semaphore, #tpu.memory_space<semaphore_mem>>) src(%arg12 : memref<128xf32, #tpu.memory_space<vmem>>) dst(%dma_wait3A_77 : memref<128xf32, #tpu.memory_space<vmem_shared>>)
      tpu.yield
    }) : () -> ()
    %add3A_17 = arith.constant 128 : i32
    %add3A_18 = arith.addi %mul3A_0, %add3A_17 : i32
    "tpu.region"() ({
      %run_scoped3A = tpu.sem_alloc : memref<!tpu.dma_semaphore, #tpu.memory_space<semaphore_mem>>
      %dma_start3A = arith.constant 0 : i32
      %dma_start3A_76 = tpu.memref_slice %arg7[%add3A_18, %dma_start3A] : memref<10240x128xf32, #tpu.memory_space<vmem_shared>> -> memref<128x128xf32, #tpu.memory_space<vmem_shared>>
      %dma_start3A_77 = arith.constant 0 : i32
      %dma_start3A_78 = tpu.memref_slice %arg7[%add3A_18, %dma_start3A_77] : memref<10240x128xf32, #tpu.memory_space<vmem_shared>> -> memref<128x128xf32, #tpu.memory_space<vmem_shared>>
      tpu.enqueue_dma source(%arg11 : memref<128x128xf32, #tpu.memory_space<vmem>>) target(%dma_start3A_78 : memref<128x128xf32, #tpu.memory_space<vmem_shared>>) target_semaphore(%run_scoped3A : memref<!tpu.dma_semaphore, #tpu.memory_space<semaphore_mem>>)
      %dma_wait3A = arith.constant 0 : i32
      %dma_wait3A_79 = tpu.memref_slice %arg7[%add3A_18, %dma_wait3A] : memref<10240x128xf32, #tpu.memory_space<vmem_shared>> -> memref<128x128xf32, #tpu.memory_space<vmem_shared>>
      %dma_wait3A_80 = arith.constant 0 : i32
      %dma_wait3A_81 = tpu.memref_slice %arg7[%add3A_18, %dma_wait3A_80] : memref<10240x128xf32, #tpu.memory_space<vmem_shared>> -> memref<128x128xf32, #tpu.memory_space<vmem_shared>>
      tpu.wait_dma2 semaphore(%run_scoped3A : memref<!tpu.dma_semaphore, #tpu.memory_space<semaphore_mem>>) src(%arg11 : memref<128x128xf32, #tpu.memory_space<vmem>>) dst(%dma_wait3A_81 : memref<128x128xf32, #tpu.memory_space<vmem_shared>>)
      tpu.yield
    }) : () -> ()
    %add3A_19 = arith.constant 128 : i32
    %add3A_20 = arith.addi %mul3A_0, %add3A_19 : i32
    "tpu.region"() ({
      %run_scoped3A = tpu.sem_alloc : memref<!tpu.dma_semaphore, #tpu.memory_space<semaphore_mem>>
      %dma_start3A = tpu.memref_slice %arg8[%add3A_20] : memref<10240xf32, #tpu.memory_space<vmem_shared>> -> memref<128xf32, #tpu.memory_space<vmem_shared>>
      %dma_start3A_76 = tpu.memref_slice %arg8[%add3A_20] : memref<10240xf32, #tpu.memory_space<vmem_shared>> -> memref<128xf32, #tpu.memory_space<vmem_shared>>
      tpu.enqueue_dma source(%arg12 : memref<128xf32, #tpu.memory_space<vmem>>) target(%dma_start3A_76 : memref<128xf32, #tpu.memory_space<vmem_shared>>) target_semaphore(%run_scoped3A : memref<!tpu.dma_semaphore, #tpu.memory_space<semaphore_mem>>)
      %dma_wait3A = tpu.memref_slice %arg8[%add3A_20] : memref<10240xf32, #tpu.memory_space<vmem_shared>> -> memref<128xf32, #tpu.memory_space<vmem_shared>>
      %dma_wait3A_77 = tpu.memref_slice %arg8[%add3A_20] : memref<10240xf32, #tpu.memory_space<vmem_shared>> -> memref<128xf32, #tpu.memory_space<vmem_shared>>
      tpu.wait_dma2 semaphore(%run_scoped3A : memref<!tpu.dma_semaphore, #tpu.memory_space<semaphore_mem>>) src(%arg12 : memref<128xf32, #tpu.memory_space<vmem>>) dst(%dma_wait3A_77 : memref<128xf32, #tpu.memory_space<vmem_shared>>)
      tpu.yield
    }) : () -> ()
    %add3A_21 = arith.constant 256 : i32
    %add3A_22 = arith.addi %mul3A_0, %add3A_21 : i32
    "tpu.region"() ({
      %run_scoped3A = tpu.sem_alloc : memref<!tpu.dma_semaphore, #tpu.memory_space<semaphore_mem>>
      %dma_start3A = arith.constant 0 : i32
      %dma_start3A_76 = tpu.memref_slice %arg7[%add3A_22, %dma_start3A] : memref<10240x128xf32, #tpu.memory_space<vmem_shared>> -> memref<128x128xf32, #tpu.memory_space<vmem_shared>>
      %dma_start3A_77 = arith.constant 0 : i32
      %dma_start3A_78 = tpu.memref_slice %arg7[%add3A_22, %dma_start3A_77] : memref<10240x128xf32, #tpu.memory_space<vmem_shared>> -> memref<128x128xf32, #tpu.memory_space<vmem_shared>>
      tpu.enqueue_dma source(%arg11 : memref<128x128xf32, #tpu.memory_space<vmem>>) target(%dma_start3A_78 : memref<128x128xf32, #tpu.memory_space<vmem_shared>>) target_semaphore(%run_scoped3A : memref<!tpu.dma_semaphore, #tpu.memory_space<semaphore_mem>>)
      %dma_wait3A = arith.constant 0 : i32
      %dma_wait3A_79 = tpu.memref_slice %arg7[%add3A_22, %dma_wait3A] : memref<10240x128xf32, #tpu.memory_space<vmem_shared>> -> memref<128x128xf32, #tpu.memory_space<vmem_shared>>
      %dma_wait3A_80 = arith.constant 0 : i32
      %dma_wait3A_81 = tpu.memref_slice %arg7[%add3A_22, %dma_wait3A_80] : memref<10240x128xf32, #tpu.memory_space<vmem_shared>> -> memref<128x128xf32, #tpu.memory_space<vmem_shared>>
      tpu.wait_dma2 semaphore(%run_scoped3A : memref<!tpu.dma_semaphore, #tpu.memory_space<semaphore_mem>>) src(%arg11 : memref<128x128xf32, #tpu.memory_space<vmem>>) dst(%dma_wait3A_81 : memref<128x128xf32, #tpu.memory_space<vmem_shared>>)
      tpu.yield
    }) : () -> ()
    %add3A_23 = arith.constant 256 : i32
    %add3A_24 = arith.addi %mul3A_0, %add3A_23 : i32
    "tpu.region"() ({
      %run_scoped3A = tpu.sem_alloc : memref<!tpu.dma_semaphore, #tpu.memory_space<semaphore_mem>>
      %dma_start3A = tpu.memref_slice %arg8[%add3A_24] : memref<10240xf32, #tpu.memory_space<vmem_shared>> -> memref<128xf32, #tpu.memory_space<vmem_shared>>
      %dma_start3A_76 = tpu.memref_slice %arg8[%add3A_24] : memref<10240xf32, #tpu.memory_space<vmem_shared>> -> memref<128xf32, #tpu.memory_space<vmem_shared>>
      tpu.enqueue_dma source(%arg12 : memref<128xf32, #tpu.memory_space<vmem>>) target(%dma_start3A_76 : memref<128xf32, #tpu.memory_space<vmem_shared>>) target_semaphore(%run_scoped3A : memref<!tpu.dma_semaphore, #tpu.memory_space<semaphore_mem>>)
      %dma_wait3A = tpu.memref_slice %arg8[%add3A_24] : memref<10240xf32, #tpu.memory_space<vmem_shared>> -> memref<128xf32, #tpu.memory_space<vmem_shared>>
      %dma_wait3A_77 = tpu.memref_slice %arg8[%add3A_24] : memref<10240xf32, #tpu.memory_space<vmem_shared>> -> memref<128xf32, #tpu.memory_space<vmem_shared>>
      tpu.wait_dma2 semaphore(%run_scoped3A : memref<!tpu.dma_semaphore, #tpu.memory_space<semaphore_mem>>) src(%arg12 : memref<128xf32, #tpu.memory_space<vmem>>) dst(%dma_wait3A_77 : memref<128xf32, #tpu.memory_space<vmem_shared>>)
      tpu.yield
    }) : () -> ()
    %add3A_25 = arith.constant 384 : i32
    %add3A_26 = arith.addi %mul3A_0, %add3A_25 : i32
    "tpu.region"() ({
      %run_scoped3A = tpu.sem_alloc : memref<!tpu.dma_semaphore, #tpu.memory_space<semaphore_mem>>
      %dma_start3A = arith.constant 0 : i32
      %dma_start3A_76 = tpu.memref_slice %arg7[%add3A_26, %dma_start3A] : memref<10240x128xf32, #tpu.memory_space<vmem_shared>> -> memref<128x128xf32, #tpu.memory_space<vmem_shared>>
      %dma_start3A_77 = arith.constant 0 : i32
      %dma_start3A_78 = tpu.memref_slice %arg7[%add3A_26, %dma_start3A_77] : memref<10240x128xf32, #tpu.memory_space<vmem_shared>> -> memref<128x128xf32, #tpu.memory_space<vmem_shared>>
      tpu.enqueue_dma source(%arg11 : memref<128x128xf32, #tpu.memory_space<vmem>>) target(%dma_start3A_78 : memref<128x128xf32, #tpu.memory_space<vmem_shared>>) target_semaphore(%run_scoped3A : memref<!tpu.dma_semaphore, #tpu.memory_space<semaphore_mem>>)
      %dma_wait3A = arith.constant 0 : i32
      %dma_wait3A_79 = tpu.memref_slice %arg7[%add3A_26, %dma_wait3A] : memref<10240x128xf32, #tpu.memory_space<vmem_shared>> -> memref<128x128xf32, #tpu.memory_space<vmem_shared>>
      %dma_wait3A_80 = arith.constant 0 : i32
      %dma_wait3A_81 = tpu.memref_slice %arg7[%add3A_26, %dma_wait3A_80] : memref<10240x128xf32, #tpu.memory_space<vmem_shared>> -> memref<128x128xf32, #tpu.memory_space<vmem_shared>>
      tpu.wait_dma2 semaphore(%run_scoped3A : memref<!tpu.dma_semaphore, #tpu.memory_space<semaphore_mem>>) src(%arg11 : memref<128x128xf32, #tpu.memory_space<vmem>>) dst(%dma_wait3A_81 : memref<128x128xf32, #tpu.memory_space<vmem_shared>>)
      tpu.yield
    }) : () -> ()
    %add3A_27 = arith.constant 384 : i32
    %add3A_28 = arith.addi %mul3A_0, %add3A_27 : i32
    "tpu.region"() ({
      %run_scoped3A = tpu.sem_alloc : memref<!tpu.dma_semaphore, #tpu.memory_space<semaphore_mem>>
      %dma_start3A = tpu.memref_slice %arg8[%add3A_28] : memref<10240xf32, #tpu.memory_space<vmem_shared>> -> memref<128xf32, #tpu.memory_space<vmem_shared>>
      %dma_start3A_76 = tpu.memref_slice %arg8[%add3A_28] : memref<10240xf32, #tpu.memory_space<vmem_shared>> -> memref<128xf32, #tpu.memory_space<vmem_shared>>
      tpu.enqueue_dma source(%arg12 : memref<128xf32, #tpu.memory_space<vmem>>) target(%dma_start3A_76 : memref<128xf32, #tpu.memory_space<vmem_shared>>) target_semaphore(%run_scoped3A : memref<!tpu.dma_semaphore, #tpu.memory_space<semaphore_mem>>)
      %dma_wait3A = tpu.memref_slice %arg8[%add3A_28] : memref<10240xf32, #tpu.memory_space<vmem_shared>> -> memref<128xf32, #tpu.memory_space<vmem_shared>>
      %dma_wait3A_77 = tpu.memref_slice %arg8[%add3A_28] : memref<10240xf32, #tpu.memory_space<vmem_shared>> -> memref<128xf32, #tpu.memory_space<vmem_shared>>
      tpu.wait_dma2 semaphore(%run_scoped3A : memref<!tpu.dma_semaphore, #tpu.memory_space<semaphore_mem>>) src(%arg12 : memref<128xf32, #tpu.memory_space<vmem>>) dst(%dma_wait3A_77 : memref<128xf32, #tpu.memory_space<vmem_shared>>)
      tpu.yield
    }) : () -> ()
    %add3A_29 = arith.constant 512 : i32
    %add3A_30 = arith.addi %mul3A_0, %add3A_29 : i32
    "tpu.region"() ({
      %run_scoped3A = tpu.sem_alloc : memref<!tpu.dma_semaphore, #tpu.memory_space<semaphore_mem>>
      %dma_start3A = arith.constant 0 : i32
      %dma_start3A_76 = tpu.memref_slice %arg7[%add3A_30, %dma_start3A] : memref<10240x128xf32, #tpu.memory_space<vmem_shared>> -> memref<128x128xf32, #tpu.memory_space<vmem_shared>>
      %dma_start3A_77 = arith.constant 0 : i32
      %dma_start3A_78 = tpu.memref_slice %arg7[%add3A_30, %dma_start3A_77] : memref<10240x128xf32, #tpu.memory_space<vmem_shared>> -> memref<128x128xf32, #tpu.memory_space<vmem_shared>>
      tpu.enqueue_dma source(%arg11 : memref<128x128xf32, #tpu.memory_space<vmem>>) target(%dma_start3A_78 : memref<128x128xf32, #tpu.memory_space<vmem_shared>>) target_semaphore(%run_scoped3A : memref<!tpu.dma_semaphore, #tpu.memory_space<semaphore_mem>>)
      %dma_wait3A = arith.constant 0 : i32
      %dma_wait3A_79 = tpu.memref_slice %arg7[%add3A_30, %dma_wait3A] : memref<10240x128xf32, #tpu.memory_space<vmem_shared>> -> memref<128x128xf32, #tpu.memory_space<vmem_shared>>
      %dma_wait3A_80 = arith.constant 0 : i32
      %dma_wait3A_81 = tpu.memref_slice %arg7[%add3A_30, %dma_wait3A_80] : memref<10240x128xf32, #tpu.memory_space<vmem_shared>> -> memref<128x128xf32, #tpu.memory_space<vmem_shared>>
      tpu.wait_dma2 semaphore(%run_scoped3A : memref<!tpu.dma_semaphore, #tpu.memory_space<semaphore_mem>>) src(%arg11 : memref<128x128xf32, #tpu.memory_space<vmem>>) dst(%dma_wait3A_81 : memref<128x128xf32, #tpu.memory_space<vmem_shared>>)
      tpu.yield
    }) : () -> ()
    %add3A_31 = arith.constant 512 : i32
    %add3A_32 = arith.addi %mul3A_0, %add3A_31 : i32
    "tpu.region"() ({
      %run_scoped3A = tpu.sem_alloc : memref<!tpu.dma_semaphore, #tpu.memory_space<semaphore_mem>>
      %dma_start3A = tpu.memref_slice %arg8[%add3A_32] : memref<10240xf32, #tpu.memory_space<vmem_shared>> -> memref<128xf32, #tpu.memory_space<vmem_shared>>
      %dma_start3A_76 = tpu.memref_slice %arg8[%add3A_32] : memref<10240xf32, #tpu.memory_space<vmem_shared>> -> memref<128xf32, #tpu.memory_space<vmem_shared>>
      tpu.enqueue_dma source(%arg12 : memref<128xf32, #tpu.memory_space<vmem>>) target(%dma_start3A_76 : memref<128xf32, #tpu.memory_space<vmem_shared>>) target_semaphore(%run_scoped3A : memref<!tpu.dma_semaphore, #tpu.memory_space<semaphore_mem>>)
      %dma_wait3A = tpu.memref_slice %arg8[%add3A_32] : memref<10240xf32, #tpu.memory_space<vmem_shared>> -> memref<128xf32, #tpu.memory_space<vmem_shared>>
      %dma_wait3A_77 = tpu.memref_slice %arg8[%add3A_32] : memref<10240xf32, #tpu.memory_space<vmem_shared>> -> memref<128xf32, #tpu.memory_space<vmem_shared>>
      tpu.wait_dma2 semaphore(%run_scoped3A : memref<!tpu.dma_semaphore, #tpu.memory_space<semaphore_mem>>) src(%arg12 : memref<128xf32, #tpu.memory_space<vmem>>) dst(%dma_wait3A_77 : memref<128xf32, #tpu.memory_space<vmem_shared>>)
      tpu.yield
    }) : () -> ()
    %scan3A_33 = arith.constant 0 : i32
    %scan3A_34 = arith.constant 0 : i32
    %scan3A_35 = arith.constant 8 : i32
    %scan3A_36 = arith.addi %scan3A_34, %scan3A_35 : i32
    %scan3A_37 = arith.constant 1 : i32
    %scan3A_38 = scf.for %scan3A_76 = %scan3A_34 to %scan3A_36 step %scan3A_37 iter_args(%scan3A_77 = %scan3A_33) -> (i32)  : i32 {
      %broadcast_in_dim3A = arith.constant 1.000000e+00 : f32
      %broadcast_in_dim3A_78 = vector.broadcast %broadcast_in_dim3A : f32 to vector<16xf32>
      %mul3A_79 = arith.constant 16 : i32
      %mul3A_80 = arith.muli %scan3A_76, %mul3A_79 : i32
      %swap3A = arith.index_cast %mul3A_80 : i32 to index
      %swap3A_81 = tpu.vector_load %arg12[%swap3A] {strides = array<i32>} : memref<128xf32, #tpu.memory_space<vmem>>, vector<16xf32>,
      %swap3A_82 = vector.shape_cast %swap3A_81 : vector<16xf32> to vector<16xf32>
      %swap3A_83 = vector.shape_cast %broadcast_in_dim3A_78 : vector<16xf32> to vector<16xf32>
      tpu.vector_store %arg12[%swap3A], %swap3A_83 {strides = array<i32>} : memref<128xf32, #tpu.memory_space<vmem>>, vector<16xf32>,
      %scan3A_84 = arith.constant 0 : i32
      scf.yield %scan3A_84 : i32
    }
    %scan3A_39 = arith.constant 8 : i32
    %barrier3A = arith.constant 0 : index
    tpu.barrier barrier_id(%barrier3A)
    %sub3A = arith.constant 1250 : i32
    %sub3A_40 = arith.subi %sub3A, %arg1 : i32
    %add3A_41 = arith.constant 16 : i32
    %add3A_42 = arith.addi %sub3A_40, %add3A_41 : i32
    %sub3A_43 = arith.constant 1 : i32
    %sub3A_44 = arith.subi %add3A_42, %sub3A_43 : i32
    %jit3A = arith.constant 16 : i32
    %div3A = arith.divsi %sub3A_44, %jit3A : i32
    %sign3A = arith.constant 0 : i32
    %sign3A_45 = arith.cmpi sgt, %sub3A_44, %sign3A : i32
    %sign3A_46 = arith.extui %sign3A_45 : i1 to i32
    %sign3A_47 = arith.constant 0 : i32
    %sign3A_48 = arith.cmpi slt, %sub3A_44, %sign3A_47 : i32
    %sign3A_49 = arith.extui %sign3A_48 : i1 to i32
    %sign3A_50 = arith.subi %sign3A_46, %sign3A_49 : i32
    %sign3A_51 = arith.constant 0 : i32
    %sign3A_52 = arith.cmpi sgt, %jit3A, %sign3A_51 : i32
    %sign3A_53 = arith.extui %sign3A_52 : i1 to i32
    %sign3A_54 = arith.constant 0 : i32
    %sign3A_55 = arith.cmpi slt, %jit3A, %sign3A_54 : i32
    %sign3A_56 = arith.extui %sign3A_55 : i1 to i32
    %sign3A_57 = arith.subi %sign3A_53, %sign3A_56 : i32
    %ne3A = arith.cmpi ne, %sign3A_50, %sign3A_57 : i32
    %rem3A = arith.remsi %sub3A_44, %jit3A : i32
    %ne3A_58 = arith.constant 0 : i32
    %ne3A_59 = arith.cmpi ne, %rem3A, %ne3A_58 : i32
    %and3A = arith.andi %ne3A, %ne3A_59 : i1
    %sub3A_60 = arith.constant 1 : i32
    %sub3A_61 = arith.subi %div3A, %sub3A_60 : i32
    %select_n3A = arith.select %and3A, %sub3A_61, %div3A : i32
    %while3A = arith.constant 0 : i32
    %while3A_62 = arith.constant 0 : i32
    %while3A_63 = arith.subi %select_n3A, %while3A : i32
    %while3A_64 = arith.addi %while3A, %while3A_63 : i32
    %while3A_65 = arith.constant 1 : i32
    %while3A_66 = arith.divsi %while3A_63, %while3A_65 : i32
    %while3A_67 = arith.muli %while3A_66, %while3A_65 : i32
    %while3A_68 = arith.addi %while3A, %while3A_67 : i32
    %while3A_69 = arith.constant 1 : i32
    %while3A_70 = scf.for %while3A_76 = %while3A to %while3A_68 step %while3A_69 iter_args(%while3A_77 = %while3A_62) -> (i32)  : i32 {
      %mul3A_78 = arith.constant 16 : i32
      %mul3A_79 = arith.muli %while3A_76, %mul3A_78 : i32
      %add3A_80 = arith.addi %arg1, %mul3A_79 : i32
      %mul3A_81 = arith.constant 128 : i32
      %mul3A_82 = arith.muli %add3A_80, %mul3A_81 : i32
      %run_scoped3A = arith.constant 0 : i32
      %run_scoped3A_83 = arith.constant 0 : i32
      "tpu.region"() ({
        %run_scoped3A_99 = tpu.sem_alloc : memref<!tpu.dma_semaphore, #tpu.memory_space<semaphore_mem>>
        %dma_start3A = arith.constant 0 : i32
        %dma_start3A_100 = tpu.memref_slice %arg9[%run_scoped3A_83, %dma_start3A] : memref<1x128xi32, #tpu.memory_space<vmem>> -> memref<1x128xi32, #tpu.memory_space<vmem>>
        %dma_start3A_101 = tpu.memref_squeeze %dma_start3A_100 : memref<1x128xi32, #tpu.memory_space<vmem>> -> memref<128xi32, #tpu.memory_space<vmem>>
        %dma_start3A_102 = tpu.memref_slice %arg4[%run_scoped3A, %mul3A_82] : memref<2x160000xi32, #tpu.memory_space<hbm>> -> memref<1x128xi32, #tpu.memory_space<hbm>>
        %dma_start3A_103 = tpu.memref_squeeze %dma_start3A_102 : memref<1x128xi32, #tpu.memory_space<hbm>> -> memref<128xi32, #tpu.memory_space<hbm>>
        %dma_start3A_104 = arith.constant 0 : i32
        %dma_start3A_105 = tpu.memref_slice %arg9[%run_scoped3A_83, %dma_start3A_104] : memref<1x128xi32, #tpu.memory_space<vmem>> -> memref<1x128xi32, #tpu.memory_space<vmem>>
        %dma_start3A_106 = tpu.memref_squeeze %dma_start3A_105 : memref<1x128xi32, #tpu.memory_space<vmem>> -> memref<128xi32, #tpu.memory_space<vmem>>
        %dma_start3A_107 = tpu.memref_slice %arg4[%run_scoped3A, %mul3A_82] : memref<2x160000xi32, #tpu.memory_space<hbm>> -> memref<1x128xi32, #tpu.memory_space<hbm>>
        %dma_start3A_108 = tpu.memref_squeeze %dma_start3A_107 : memref<1x128xi32, #tpu.memory_space<hbm>> -> memref<128xi32, #tpu.memory_space<hbm>>
        tpu.enqueue_dma source(%dma_start3A_108 : memref<128xi32, #tpu.memory_space<hbm>>) target(%dma_start3A_106 : memref<128xi32, #tpu.memory_space<vmem>>) target_semaphore(%run_scoped3A_99 : memref<!tpu.dma_semaphore, #tpu.memory_space<semaphore_mem>>)
        %dma_wait3A = arith.constant 0 : i32
        %dma_wait3A_109 = tpu.memref_slice %arg9[%run_scoped3A_83, %dma_wait3A] : memref<1x128xi32, #tpu.memory_space<vmem>> -> memref<1x128xi32, #tpu.memory_space<vmem>>
        %dma_wait3A_110 = tpu.memref_squeeze %dma_wait3A_109 : memref<1x128xi32, #tpu.memory_space<vmem>> -> memref<128xi32, #tpu.memory_space<vmem>>
        %dma_wait3A_111 = tpu.memref_slice %arg4[%run_scoped3A, %mul3A_82] : memref<2x160000xi32, #tpu.memory_space<hbm>> -> memref<1x128xi32, #tpu.memory_space<hbm>>
        %dma_wait3A_112 = tpu.memref_squeeze %dma_wait3A_111 : memref<1x128xi32, #tpu.memory_space<hbm>> -> memref<128xi32, #tpu.memory_space<hbm>>
        %dma_wait3A_113 = arith.constant 0 : i32
        %dma_wait3A_114 = tpu.memref_slice %arg9[%run_scoped3A_83, %dma_wait3A_113] : memref<1x128xi32, #tpu.memory_space<vmem>> -> memref<1x128xi32, #tpu.memory_space<vmem>>
        %dma_wait3A_115 = tpu.memref_squeeze %dma_wait3A_114 : memref<1x128xi32, #tpu.memory_space<vmem>> -> memref<128xi32, #tpu.memory_space<vmem>>
        %dma_wait3A_116 = tpu.memref_slice %arg4[%run_scoped3A, %mul3A_82] : memref<2x160000xi32, #tpu.memory_space<hbm>> -> memref<1x128xi32, #tpu.memory_space<hbm>>
        %dma_wait3A_117 = tpu.memref_squeeze %dma_wait3A_116 : memref<1x128xi32, #tpu.memory_space<hbm>> -> memref<128xi32, #tpu.memory_space<hbm>>
        tpu.wait_dma2 semaphore(%run_scoped3A_99 : memref<!tpu.dma_semaphore, #tpu.memory_space<semaphore_mem>>) src(%dma_wait3A_117 : memref<128xi32, #tpu.memory_space<hbm>>) dst(%dma_wait3A_115 : memref<128xi32, #tpu.memory_space<vmem>>)
        tpu.yield
      }) : () -> ()
      %run_scoped3A_84 = arith.constant 1 : i32
      %run_scoped3A_85 = arith.constant 0 : i32
      "tpu.region"() ({
        %run_scoped3A_99 = tpu.sem_alloc : memref<!tpu.dma_semaphore, #tpu.memory_space<semaphore_mem>>
        %dma_start3A = arith.constant 0 : i32
        %dma_start3A_100 = tpu.memref_slice %arg10[%run_scoped3A_85, %dma_start3A] : memref<1x128xi32, #tpu.memory_space<vmem>> -> memref<1x128xi32, #tpu.memory_space<vmem>>
        %dma_start3A_101 = tpu.memref_squeeze %dma_start3A_100 : memref<1x128xi32, #tpu.memory_space<vmem>> -> memref<128xi32, #tpu.memory_space<vmem>>
        %dma_start3A_102 = tpu.memref_slice %arg4[%run_scoped3A_84, %mul3A_82] : memref<2x160000xi32, #tpu.memory_space<hbm>> -> memref<1x128xi32, #tpu.memory_space<hbm>>
        %dma_start3A_103 = tpu.memref_squeeze %dma_start3A_102 : memref<1x128xi32, #tpu.memory_space<hbm>> -> memref<128xi32, #tpu.memory_space<hbm>>
        %dma_start3A_104 = arith.constant 0 : i32
        %dma_start3A_105 = tpu.memref_slice %arg10[%run_scoped3A_85, %dma_start3A_104] : memref<1x128xi32, #tpu.memory_space<vmem>> -> memref<1x128xi32, #tpu.memory_space<vmem>>
        %dma_start3A_106 = tpu.memref_squeeze %dma_start3A_105 : memref<1x128xi32, #tpu.memory_space<vmem>> -> memref<128xi32, #tpu.memory_space<vmem>>
        %dma_start3A_107 = tpu.memref_slice %arg4[%run_scoped3A_84, %mul3A_82] : memref<2x160000xi32, #tpu.memory_space<hbm>> -> memref<1x128xi32, #tpu.memory_space<hbm>>
        %dma_start3A_108 = tpu.memref_squeeze %dma_start3A_107 : memref<1x128xi32, #tpu.memory_space<hbm>> -> memref<128xi32, #tpu.memory_space<hbm>>
        tpu.enqueue_dma source(%dma_start3A_108 : memref<128xi32, #tpu.memory_space<hbm>>) target(%dma_start3A_106 : memref<128xi32, #tpu.memory_space<vmem>>) target_semaphore(%run_scoped3A_99 : memref<!tpu.dma_semaphore, #tpu.memory_space<semaphore_mem>>)
        %dma_wait3A = arith.constant 0 : i32
        %dma_wait3A_109 = tpu.memref_slice %arg10[%run_scoped3A_85, %dma_wait3A] : memref<1x128xi32, #tpu.memory_space<vmem>> -> memref<1x128xi32, #tpu.memory_space<vmem>>
        %dma_wait3A_110 = tpu.memref_squeeze %dma_wait3A_109 : memref<1x128xi32, #tpu.memory_space<vmem>> -> memref<128xi32, #tpu.memory_space<vmem>>
        %dma_wait3A_111 = tpu.memref_slice %arg4[%run_scoped3A_84, %mul3A_82] : memref<2x160000xi32, #tpu.memory_space<hbm>> -> memref<1x128xi32, #tpu.memory_space<hbm>>
        %dma_wait3A_112 = tpu.memref_squeeze %dma_wait3A_111 : memref<1x128xi32, #tpu.memory_space<hbm>> -> memref<128xi32, #tpu.memory_space<hbm>>
        %dma_wait3A_113 = arith.constant 0 : i32
        %dma_wait3A_114 = tpu.memref_slice %arg10[%run_scoped3A_85, %dma_wait3A_113] : memref<1x128xi32, #tpu.memory_space<vmem>> -> memref<1x128xi32, #tpu.memory_space<vmem>>
        %dma_wait3A_115 = tpu.memref_squeeze %dma_wait3A_114 : memref<1x128xi32, #tpu.memory_space<vmem>> -> memref<128xi32, #tpu.memory_space<vmem>>
        %dma_wait3A_116 = tpu.memref_slice %arg4[%run_scoped3A_84, %mul3A_82] : memref<2x160000xi32, #tpu.memory_space<hbm>> -> memref<1x128xi32, #tpu.memory_space<hbm>>
        %dma_wait3A_117 = tpu.memref_squeeze %dma_wait3A_116 : memref<1x128xi32, #tpu.memory_space<hbm>> -> memref<128xi32, #tpu.memory_space<hbm>>
        tpu.wait_dma2 semaphore(%run_scoped3A_99 : memref<!tpu.dma_semaphore, #tpu.memory_space<semaphore_mem>>) src(%dma_wait3A_117 : memref<128xi32, #tpu.memory_space<hbm>>) dst(%dma_wait3A_115 : memref<128xi32, #tpu.memory_space<vmem>>)
        tpu.yield
      }) : () -> ()
      %eq3A_86 = arith.constant 0 : i32
      %eq3A_87 = arith.cmpi eq, %arg0, %eq3A_86 : i32
      %convert_element_type3A_88 = arith.extui %eq3A_87 : i1 to i32
      %cond3A_89 = arith.constant 0 : i32
      %cond3A_90 = arith.cmpi ne, %convert_element_type3A_88, %cond3A_89 : i32
      scf.if %cond3A_90 {
        %dma_start3A = arith.constant 0 : i32
        %dma_start3A_99 = arith.constant 0 : i32
        %dma_start3A_100 = tpu.memref_slice %arg10[%dma_start3A, %dma_start3A_99] : memref<1x128xi32, #tpu.memory_space<vmem>> -> memref<1x128xi32, #tpu.memory_space<vmem>>
        %dma_start3A_101 = tpu.memref_squeeze %dma_start3A_100 : memref<1x128xi32, #tpu.memory_space<vmem>> -> memref<128xi32, #tpu.memory_space<vmem>>
        %dma_start3A_102 = arith.constant 0 : i32
        %dma_start3A_103 = arith.constant 0 : i32
        %dma_start3A_104 = tpu.memref_slice %arg2[%dma_start3A_102, %dma_start3A_103] : memref<10000x128xf32, #tpu.memory_space<hbm>> -> memref<10000x128xf32, #tpu.memory_space<hbm>>
        tpu.enqueue_indirect_dma source(%dma_start3A_104 : memref<10000x128xf32, #tpu.memory_space<hbm>>) target(%arg11 : memref<128x128xf32, #tpu.memory_space<vmem>>) offsets(%dma_start3A_101 : memref<128xi32, #tpu.memory_space<vmem>>) semaphore(%arg13 : memref<!tpu.dma_semaphore, #tpu.memory_space<semaphore_mem>>)
        %dma_wait3A = arith.constant 0 : i32
        %dma_wait3A_105 = arith.constant 0 : i32
        %dma_wait3A_106 = tpu.memref_slice %arg10[%dma_wait3A, %dma_wait3A_105] : memref<1x128xi32, #tpu.memory_space<vmem>> -> memref<1x128xi32, #tpu.memory_space<vmem>>
        %dma_wait3A_107 = tpu.memref_squeeze %dma_wait3A_106 : memref<1x128xi32, #tpu.memory_space<vmem>> -> memref<128xi32, #tpu.memory_space<vmem>>
        %dma_wait3A_108 = arith.constant 0 : i32
        %dma_wait3A_109 = arith.constant 0 : i32
        %dma_wait3A_110 = tpu.memref_slice %arg2[%dma_wait3A_108, %dma_wait3A_109] : memref<10000x128xf32, #tpu.memory_space<hbm>> -> memref<10000x128xf32, #tpu.memory_space<hbm>>
        tpu.wait_indirect_dma semaphore(%arg13 : memref<!tpu.dma_semaphore, #tpu.memory_space<semaphore_mem>>) src(%dma_wait3A_110 : memref<10000x128xf32, #tpu.memory_space<hbm>>) dst(%arg11 : memref<128x128xf32, #tpu.memory_space<vmem>>)
      } else {
      }
      %eq3A_91 = arith.constant 1 : i32
      %eq3A_92 = arith.cmpi eq, %arg0, %eq3A_91 : i32
      %convert_element_type3A_93 = arith.extui %eq3A_92 : i1 to i32
      %cond3A_94 = arith.constant 0 : i32
      %cond3A_95 = arith.cmpi ne, %convert_element_type3A_93, %cond3A_94 : i32
      scf.if %cond3A_95 {
        %dma_start3A = arith.constant 0 : i32
        %dma_start3A_99 = arith.constant 0 : i32
        %dma_start3A_100 = tpu.memref_slice %arg10[%dma_start3A, %dma_start3A_99] : memref<1x128xi32, #tpu.memory_space<vmem>> -> memref<1x128xi32, #tpu.memory_space<vmem>>
        %dma_start3A_101 = tpu.memref_squeeze %dma_start3A_100 : memref<1x128xi32, #tpu.memory_space<vmem>> -> memref<128xi32, #tpu.memory_space<vmem>>
        %dma_start3A_102 = arith.constant 0 : i32
        %dma_start3A_103 = arith.constant 0 : i32
        %dma_start3A_104 = tpu.memref_slice %arg3[%dma_start3A_102, %dma_start3A_103] : memref<10000x128xf32, #tpu.memory_space<hbm>> -> memref<10000x128xf32, #tpu.memory_space<hbm>>
        tpu.enqueue_indirect_dma source(%dma_start3A_104 : memref<10000x128xf32, #tpu.memory_space<hbm>>) target(%arg11 : memref<128x128xf32, #tpu.memory_space<vmem>>) offsets(%dma_start3A_101 : memref<128xi32, #tpu.memory_space<vmem>>) semaphore(%arg13 : memref<!tpu.dma_semaphore, #tpu.memory_space<semaphore_mem>>)
        %dma_wait3A = arith.constant 0 : i32
        %dma_wait3A_105 = arith.constant 0 : i32
        %dma_wait3A_106 = tpu.memref_slice %arg10[%dma_wait3A, %dma_wait3A_105] : memref<1x128xi32, #tpu.memory_space<vmem>> -> memref<1x128xi32, #tpu.memory_space<vmem>>
        %dma_wait3A_107 = tpu.memref_squeeze %dma_wait3A_106 : memref<1x128xi32, #tpu.memory_space<vmem>> -> memref<128xi32, #tpu.memory_space<vmem>>
        %dma_wait3A_108 = arith.constant 0 : i32
        %dma_wait3A_109 = arith.constant 0 : i32
        %dma_wait3A_110 = tpu.memref_slice %arg3[%dma_wait3A_108, %dma_wait3A_109] : memref<10000x128xf32, #tpu.memory_space<hbm>> -> memref<10000x128xf32, #tpu.memory_space<hbm>>
        tpu.wait_indirect_dma semaphore(%arg13 : memref<!tpu.dma_semaphore, #tpu.memory_space<semaphore_mem>>) src(%dma_wait3A_110 : memref<10000x128xf32, #tpu.memory_space<hbm>>) dst(%arg11 : memref<128x128xf32, #tpu.memory_space<vmem>>)
      } else {
      }
      %run_scoped3A_96 = arith.constant 0 : i32
      "tpu.region"() ({
        %run_scoped3A_99 = tpu.sem_alloc : memref<!tpu.dma_semaphore, #tpu.memory_space<semaphore_mem>>
        %dma_start3A = arith.constant 0 : i32
        %dma_start3A_100 = tpu.memref_slice %arg9[%run_scoped3A_96, %dma_start3A] : memref<1x128xi32, #tpu.memory_space<vmem>> -> memref<1x128xi32, #tpu.memory_space<vmem>>
        %dma_start3A_101 = tpu.memref_squeeze %dma_start3A_100 : memref<1x128xi32, #tpu.memory_space<vmem>> -> memref<128xi32, #tpu.memory_space<vmem>>
        %dma_start3A_102 = arith.constant 0 : i32
        %dma_start3A_103 = arith.constant 0 : i32
        %dma_start3A_104 = tpu.memref_slice %arg7[%dma_start3A_102, %dma_start3A_103] : memref<10240x128xf32, #tpu.memory_space<vmem_shared>> -> memref<10240x128xf32, #tpu.memory_space<vmem_shared>>
        tpu.enqueue_indirect_dma source(%arg11 : memref<128x128xf32, #tpu.memory_space<vmem>>) target(%dma_start3A_104 : memref<10240x128xf32, #tpu.memory_space<vmem_shared>>) offsets(%dma_start3A_101 : memref<128xi32, #tpu.memory_space<vmem>>) semaphore(%run_scoped3A_99 : memref<!tpu.dma_semaphore, #tpu.memory_space<semaphore_mem>>) {add = true}
        %dma_wait3A = arith.constant 0 : i32
        %dma_wait3A_105 = tpu.memref_slice %arg9[%run_scoped3A_96, %dma_wait3A] : memref<1x128xi32, #tpu.memory_space<vmem>> -> memref<1x128xi32, #tpu.memory_space<vmem>>
        %dma_wait3A_106 = tpu.memref_squeeze %dma_wait3A_105 : memref<1x128xi32, #tpu.memory_space<vmem>> -> memref<128xi32, #tpu.memory_space<vmem>>
        %dma_wait3A_107 = arith.constant 0 : i32
        %dma_wait3A_108 = arith.constant 0 : i32
        %dma_wait3A_109 = tpu.memref_slice %arg7[%dma_wait3A_107, %dma_wait3A_108] : memref<10240x128xf32, #tpu.memory_space<vmem_shared>> -> memref<10240x128xf32, #tpu.memory_space<vmem_shared>>
        tpu.wait_indirect_dma semaphore(%run_scoped3A_99 : memref<!tpu.dma_semaphore, #tpu.memory_space<semaphore_mem>>) src(%arg11 : memref<128x128xf32, #tpu.memory_space<vmem>>) dst(%dma_wait3A_109 : memref<10240x128xf32, #tpu.memory_space<vmem_shared>>)
        tpu.yield
      }) : () -> ()
      %run_scoped3A_97 = arith.constant 0 : i32
      "tpu.region"() ({
        %run_scoped3A_99 = tpu.sem_alloc : memref<!tpu.dma_semaphore, #tpu.memory_space<semaphore_mem>>
        %dma_start3A = arith.constant 0 : i32
        %dma_start3A_100 = tpu.memref_slice %arg9[%run_scoped3A_97, %dma_start3A] : memref<1x128xi32, #tpu.memory_space<vmem>> -> memref<1x128xi32, #tpu.memory_space<vmem>>
        %dma_start3A_101 = tpu.memref_squeeze %dma_start3A_100 : memref<1x128xi32, #tpu.memory_space<vmem>> -> memref<128xi32, #tpu.memory_space<vmem>>
        %dma_start3A_102 = arith.constant 0 : i32
        %dma_start3A_103 = tpu.memref_slice %arg8[%dma_start3A_102] : memref<10240xf32, #tpu.memory_space<vmem_shared>> -> memref<10240xf32, #tpu.memory_space<vmem_shared>>
        tpu.enqueue_indirect_dma source(%arg12 : memref<128xf32, #tpu.memory_space<vmem>>) target(%dma_start3A_103 : memref<10240xf32, #tpu.memory_space<vmem_shared>>) offsets(%dma_start3A_101 : memref<128xi32, #tpu.memory_space<vmem>>) semaphore(%run_scoped3A_99 : memref<!tpu.dma_semaphore, #tpu.memory_space<semaphore_mem>>) {add = true}
        %dma_wait3A = arith.constant 0 : i32
        %dma_wait3A_104 = tpu.memref_slice %arg9[%run_scoped3A_97, %dma_wait3A] : memref<1x128xi32, #tpu.memory_space<vmem>> -> memref<1x128xi32, #tpu.memory_space<vmem>>
        %dma_wait3A_105 = tpu.memref_squeeze %dma_wait3A_104 : memref<1x128xi32, #tpu.memory_space<vmem>> -> memref<128xi32, #tpu.memory_space<vmem>>
        %dma_wait3A_106 = arith.constant 0 : i32
        %dma_wait3A_107 = tpu.memref_slice %arg8[%dma_wait3A_106] : memref<10240xf32, #tpu.memory_space<vmem_shared>> -> memref<10240xf32, #tpu.memory_space<vmem_shared>>
        tpu.wait_indirect_dma semaphore(%run_scoped3A_99 : memref<!tpu.dma_semaphore, #tpu.memory_space<semaphore_mem>>) src(%arg12 : memref<128xf32, #tpu.memory_space<vmem>>) dst(%dma_wait3A_107 : memref<10240xf32, #tpu.memory_space<vmem_shared>>)
        tpu.yield
      }) : () -> ()
      %while3A_98 = arith.constant 0 : i32
      scf.yield %while3A_98 : i32
    }
    %while3A_71 = arith.constant 1 : i32
    %while3A_72 = scf.for %while3A_76 = %while3A_68 to %while3A_64 step %while3A_71 iter_args(%while3A_77 = %while3A_70) -> (i32)  : i32 {
      %mul3A_78 = arith.constant 16 : i32
      %mul3A_79 = arith.muli %while3A_76, %mul3A_78 : i32
      %add3A_80 = arith.addi %arg1, %mul3A_79 : i32
      %mul3A_81 = arith.constant 128 : i32
      %mul3A_82 = arith.muli %add3A_80, %mul3A_81 : i32
      %run_scoped3A = arith.constant 0 : i32
      %run_scoped3A_83 = arith.constant 0 : i32
      "tpu.region"() ({
        %run_scoped3A_99 = tpu.sem_alloc : memref<!tpu.dma_semaphore, #tpu.memory_space<semaphore_mem>>
        %dma_start3A = arith.constant 0 : i32
        %dma_start3A_100 = tpu.memref_slice %arg9[%run_scoped3A_83, %dma_start3A] : memref<1x128xi32, #tpu.memory_space<vmem>> -> memref<1x128xi32, #tpu.memory_space<vmem>>
        %dma_start3A_101 = tpu.memref_squeeze %dma_start3A_100 : memref<1x128xi32, #tpu.memory_space<vmem>> -> memref<128xi32, #tpu.memory_space<vmem>>
        %dma_start3A_102 = tpu.memref_slice %arg4[%run_scoped3A, %mul3A_82] : memref<2x160000xi32, #tpu.memory_space<hbm>> -> memref<1x128xi32, #tpu.memory_space<hbm>>
        %dma_start3A_103 = tpu.memref_squeeze %dma_start3A_102 : memref<1x128xi32, #tpu.memory_space<hbm>> -> memref<128xi32, #tpu.memory_space<hbm>>
        %dma_start3A_104 = arith.constant 0 : i32
        %dma_start3A_105 = tpu.memref_slice %arg9[%run_scoped3A_83, %dma_start3A_104] : memref<1x128xi32, #tpu.memory_space<vmem>> -> memref<1x128xi32, #tpu.memory_space<vmem>>
        %dma_start3A_106 = tpu.memref_squeeze %dma_start3A_105 : memref<1x128xi32, #tpu.memory_space<vmem>> -> memref<128xi32, #tpu.memory_space<vmem>>
        %dma_start3A_107 = tpu.memref_slice %arg4[%run_scoped3A, %mul3A_82] : memref<2x160000xi32, #tpu.memory_space<hbm>> -> memref<1x128xi32, #tpu.memory_space<hbm>>
        %dma_start3A_108 = tpu.memref_squeeze %dma_start3A_107 : memref<1x128xi32, #tpu.memory_space<hbm>> -> memref<128xi32, #tpu.memory_space<hbm>>
        tpu.enqueue_dma source(%dma_start3A_108 : memref<128xi32, #tpu.memory_space<hbm>>) target(%dma_start3A_106 : memref<128xi32, #tpu.memory_space<vmem>>) target_semaphore(%run_scoped3A_99 : memref<!tpu.dma_semaphore, #tpu.memory_space<semaphore_mem>>)
        %dma_wait3A = arith.constant 0 : i32
        %dma_wait3A_109 = tpu.memref_slice %arg9[%run_scoped3A_83, %dma_wait3A] : memref<1x128xi32, #tpu.memory_space<vmem>> -> memref<1x128xi32, #tpu.memory_space<vmem>>
        %dma_wait3A_110 = tpu.memref_squeeze %dma_wait3A_109 : memref<1x128xi32, #tpu.memory_space<vmem>> -> memref<128xi32, #tpu.memory_space<vmem>>
        %dma_wait3A_111 = tpu.memref_slice %arg4[%run_scoped3A, %mul3A_82] : memref<2x160000xi32, #tpu.memory_space<hbm>> -> memref<1x128xi32, #tpu.memory_space<hbm>>
        %dma_wait3A_112 = tpu.memref_squeeze %dma_wait3A_111 : memref<1x128xi32, #tpu.memory_space<hbm>> -> memref<128xi32, #tpu.memory_space<hbm>>
        %dma_wait3A_113 = arith.constant 0 : i32
        %dma_wait3A_114 = tpu.memref_slice %arg9[%run_scoped3A_83, %dma_wait3A_113] : memref<1x128xi32, #tpu.memory_space<vmem>> -> memref<1x128xi32, #tpu.memory_space<vmem>>
        %dma_wait3A_115 = tpu.memref_squeeze %dma_wait3A_114 : memref<1x128xi32, #tpu.memory_space<vmem>> -> memref<128xi32, #tpu.memory_space<vmem>>
        %dma_wait3A_116 = tpu.memref_slice %arg4[%run_scoped3A, %mul3A_82] : memref<2x160000xi32, #tpu.memory_space<hbm>> -> memref<1x128xi32, #tpu.memory_space<hbm>>
        %dma_wait3A_117 = tpu.memref_squeeze %dma_wait3A_116 : memref<1x128xi32, #tpu.memory_space<hbm>> -> memref<128xi32, #tpu.memory_space<hbm>>
        tpu.wait_dma2 semaphore(%run_scoped3A_99 : memref<!tpu.dma_semaphore, #tpu.memory_space<semaphore_mem>>) src(%dma_wait3A_117 : memref<128xi32, #tpu.memory_space<hbm>>) dst(%dma_wait3A_115 : memref<128xi32, #tpu.memory_space<vmem>>)
        tpu.yield
      }) : () -> ()
      %run_scoped3A_84 = arith.constant 1 : i32
      %run_scoped3A_85 = arith.constant 0 : i32
      "tpu.region"() ({
        %run_scoped3A_99 = tpu.sem_alloc : memref<!tpu.dma_semaphore, #tpu.memory_space<semaphore_mem>>
        %dma_start3A = arith.constant 0 : i32
        %dma_start3A_100 = tpu.memref_slice %arg10[%run_scoped3A_85, %dma_start3A] : memref<1x128xi32, #tpu.memory_space<vmem>> -> memref<1x128xi32, #tpu.memory_space<vmem>>
        %dma_start3A_101 = tpu.memref_squeeze %dma_start3A_100 : memref<1x128xi32, #tpu.memory_space<vmem>> -> memref<128xi32, #tpu.memory_space<vmem>>
        %dma_start3A_102 = tpu.memref_slice %arg4[%run_scoped3A_84, %mul3A_82] : memref<2x160000xi32, #tpu.memory_space<hbm>> -> memref<1x128xi32, #tpu.memory_space<hbm>>
        %dma_start3A_103 = tpu.memref_squeeze %dma_start3A_102 : memref<1x128xi32, #tpu.memory_space<hbm>> -> memref<128xi32, #tpu.memory_space<hbm>>
        %dma_start3A_104 = arith.constant 0 : i32
        %dma_start3A_105 = tpu.memref_slice %arg10[%run_scoped3A_85, %dma_start3A_104] : memref<1x128xi32, #tpu.memory_space<vmem>> -> memref<1x128xi32, #tpu.memory_space<vmem>>
        %dma_start3A_106 = tpu.memref_squeeze %dma_start3A_105 : memref<1x128xi32, #tpu.memory_space<vmem>> -> memref<128xi32, #tpu.memory_space<vmem>>
        %dma_start3A_107 = tpu.memref_slice %arg4[%run_scoped3A_84, %mul3A_82] : memref<2x160000xi32, #tpu.memory_space<hbm>> -> memref<1x128xi32, #tpu.memory_space<hbm>>
        %dma_start3A_108 = tpu.memref_squeeze %dma_start3A_107 : memref<1x128xi32, #tpu.memory_space<hbm>> -> memref<128xi32, #tpu.memory_space<hbm>>
        tpu.enqueue_dma source(%dma_start3A_108 : memref<128xi32, #tpu.memory_space<hbm>>) target(%dma_start3A_106 : memref<128xi32, #tpu.memory_space<vmem>>) target_semaphore(%run_scoped3A_99 : memref<!tpu.dma_semaphore, #tpu.memory_space<semaphore_mem>>)
        %dma_wait3A = arith.constant 0 : i32
        %dma_wait3A_109 = tpu.memref_slice %arg10[%run_scoped3A_85, %dma_wait3A] : memref<1x128xi32, #tpu.memory_space<vmem>> -> memref<1x128xi32, #tpu.memory_space<vmem>>
        %dma_wait3A_110 = tpu.memref_squeeze %dma_wait3A_109 : memref<1x128xi32, #tpu.memory_space<vmem>> -> memref<128xi32, #tpu.memory_space<vmem>>
        %dma_wait3A_111 = tpu.memref_slice %arg4[%run_scoped3A_84, %mul3A_82] : memref<2x160000xi32, #tpu.memory_space<hbm>> -> memref<1x128xi32, #tpu.memory_space<hbm>>
        %dma_wait3A_112 = tpu.memref_squeeze %dma_wait3A_111 : memref<1x128xi32, #tpu.memory_space<hbm>> -> memref<128xi32, #tpu.memory_space<hbm>>
        %dma_wait3A_113 = arith.constant 0 : i32
        %dma_wait3A_114 = tpu.memref_slice %arg10[%run_scoped3A_85, %dma_wait3A_113] : memref<1x128xi32, #tpu.memory_space<vmem>> -> memref<1x128xi32, #tpu.memory_space<vmem>>
        %dma_wait3A_115 = tpu.memref_squeeze %dma_wait3A_114 : memref<1x128xi32, #tpu.memory_space<vmem>> -> memref<128xi32, #tpu.memory_space<vmem>>
        %dma_wait3A_116 = tpu.memref_slice %arg4[%run_scoped3A_84, %mul3A_82] : memref<2x160000xi32, #tpu.memory_space<hbm>> -> memref<1x128xi32, #tpu.memory_space<hbm>>
        %dma_wait3A_117 = tpu.memref_squeeze %dma_wait3A_116 : memref<1x128xi32, #tpu.memory_space<hbm>> -> memref<128xi32, #tpu.memory_space<hbm>>
        tpu.wait_dma2 semaphore(%run_scoped3A_99 : memref<!tpu.dma_semaphore, #tpu.memory_space<semaphore_mem>>) src(%dma_wait3A_117 : memref<128xi32, #tpu.memory_space<hbm>>) dst(%dma_wait3A_115 : memref<128xi32, #tpu.memory_space<vmem>>)
        tpu.yield
      }) : () -> ()
      %eq3A_86 = arith.constant 0 : i32
      %eq3A_87 = arith.cmpi eq, %arg0, %eq3A_86 : i32
      %convert_element_type3A_88 = arith.extui %eq3A_87 : i1 to i32
      %cond3A_89 = arith.constant 0 : i32
      %cond3A_90 = arith.cmpi ne, %convert_element_type3A_88, %cond3A_89 : i32
      scf.if %cond3A_90 {
        %dma_start3A = arith.constant 0 : i32
        %dma_start3A_99 = arith.constant 0 : i32
        %dma_start3A_100 = tpu.memref_slice %arg10[%dma_start3A, %dma_start3A_99] : memref<1x128xi32, #tpu.memory_space<vmem>> -> memref<1x128xi32, #tpu.memory_space<vmem>>
        %dma_start3A_101 = tpu.memref_squeeze %dma_start3A_100 : memref<1x128xi32, #tpu.memory_space<vmem>> -> memref<128xi32, #tpu.memory_space<vmem>>
        %dma_start3A_102 = arith.constant 0 : i32
        %dma_start3A_103 = arith.constant 0 : i32
        %dma_start3A_104 = tpu.memref_slice %arg2[%dma_start3A_102, %dma_start3A_103] : memref<10000x128xf32, #tpu.memory_space<hbm>> -> memref<10000x128xf32, #tpu.memory_space<hbm>>
        tpu.enqueue_indirect_dma source(%dma_start3A_104 : memref<10000x128xf32, #tpu.memory_space<hbm>>) target(%arg11 : memref<128x128xf32, #tpu.memory_space<vmem>>) offsets(%dma_start3A_101 : memref<128xi32, #tpu.memory_space<vmem>>) semaphore(%arg13 : memref<!tpu.dma_semaphore, #tpu.memory_space<semaphore_mem>>)
        %dma_wait3A = arith.constant 0 : i32
        %dma_wait3A_105 = arith.constant 0 : i32
        %dma_wait3A_106 = tpu.memref_slice %arg10[%dma_wait3A, %dma_wait3A_105] : memref<1x128xi32, #tpu.memory_space<vmem>> -> memref<1x128xi32, #tpu.memory_space<vmem>>
        %dma_wait3A_107 = tpu.memref_squeeze %dma_wait3A_106 : memref<1x128xi32, #tpu.memory_space<vmem>> -> memref<128xi32, #tpu.memory_space<vmem>>
        %dma_wait3A_108 = arith.constant 0 : i32
        %dma_wait3A_109 = arith.constant 0 : i32
        %dma_wait3A_110 = tpu.memref_slice %arg2[%dma_wait3A_108, %dma_wait3A_109] : memref<10000x128xf32, #tpu.memory_space<hbm>> -> memref<10000x128xf32, #tpu.memory_space<hbm>>
        tpu.wait_indirect_dma semaphore(%arg13 : memref<!tpu.dma_semaphore, #tpu.memory_space<semaphore_mem>>) src(%dma_wait3A_110 : memref<10000x128xf32, #tpu.memory_space<hbm>>) dst(%arg11 : memref<128x128xf32, #tpu.memory_space<vmem>>)
      } else {
      }
      %eq3A_91 = arith.constant 1 : i32
      %eq3A_92 = arith.cmpi eq, %arg0, %eq3A_91 : i32
      %convert_element_type3A_93 = arith.extui %eq3A_92 : i1 to i32
      %cond3A_94 = arith.constant 0 : i32
      %cond3A_95 = arith.cmpi ne, %convert_element_type3A_93, %cond3A_94 : i32
      scf.if %cond3A_95 {
        %dma_start3A = arith.constant 0 : i32
        %dma_start3A_99 = arith.constant 0 : i32
        %dma_start3A_100 = tpu.memref_slice %arg10[%dma_start3A, %dma_start3A_99] : memref<1x128xi32, #tpu.memory_space<vmem>> -> memref<1x128xi32, #tpu.memory_space<vmem>>
        %dma_start3A_101 = tpu.memref_squeeze %dma_start3A_100 : memref<1x128xi32, #tpu.memory_space<vmem>> -> memref<128xi32, #tpu.memory_space<vmem>>
        %dma_start3A_102 = arith.constant 0 : i32
        %dma_start3A_103 = arith.constant 0 : i32
        %dma_start3A_104 = tpu.memref_slice %arg3[%dma_start3A_102, %dma_start3A_103] : memref<10000x128xf32, #tpu.memory_space<hbm>> -> memref<10000x128xf32, #tpu.memory_space<hbm>>
        tpu.enqueue_indirect_dma source(%dma_start3A_104 : memref<10000x128xf32, #tpu.memory_space<hbm>>) target(%arg11 : memref<128x128xf32, #tpu.memory_space<vmem>>) offsets(%dma_start3A_101 : memref<128xi32, #tpu.memory_space<vmem>>) semaphore(%arg13 : memref<!tpu.dma_semaphore, #tpu.memory_space<semaphore_mem>>)
        %dma_wait3A = arith.constant 0 : i32
        %dma_wait3A_105 = arith.constant 0 : i32
        %dma_wait3A_106 = tpu.memref_slice %arg10[%dma_wait3A, %dma_wait3A_105] : memref<1x128xi32, #tpu.memory_space<vmem>> -> memref<1x128xi32, #tpu.memory_space<vmem>>
        %dma_wait3A_107 = tpu.memref_squeeze %dma_wait3A_106 : memref<1x128xi32, #tpu.memory_space<vmem>> -> memref<128xi32, #tpu.memory_space<vmem>>
        %dma_wait3A_108 = arith.constant 0 : i32
        %dma_wait3A_109 = arith.constant 0 : i32
        %dma_wait3A_110 = tpu.memref_slice %arg3[%dma_wait3A_108, %dma_wait3A_109] : memref<10000x128xf32, #tpu.memory_space<hbm>> -> memref<10000x128xf32, #tpu.memory_space<hbm>>
        tpu.wait_indirect_dma semaphore(%arg13 : memref<!tpu.dma_semaphore, #tpu.memory_space<semaphore_mem>>) src(%dma_wait3A_110 : memref<10000x128xf32, #tpu.memory_space<hbm>>) dst(%arg11 : memref<128x128xf32, #tpu.memory_space<vmem>>)
      } else {
      }
      %run_scoped3A_96 = arith.constant 0 : i32
      "tpu.region"() ({
        %run_scoped3A_99 = tpu.sem_alloc : memref<!tpu.dma_semaphore, #tpu.memory_space<semaphore_mem>>
        %dma_start3A = arith.constant 0 : i32
        %dma_start3A_100 = tpu.memref_slice %arg9[%run_scoped3A_96, %dma_start3A] : memref<1x128xi32, #tpu.memory_space<vmem>> -> memref<1x128xi32, #tpu.memory_space<vmem>>
        %dma_start3A_101 = tpu.memref_squeeze %dma_start3A_100 : memref<1x128xi32, #tpu.memory_space<vmem>> -> memref<128xi32, #tpu.memory_space<vmem>>
        %dma_start3A_102 = arith.constant 0 : i32
        %dma_start3A_103 = arith.constant 0 : i32
        %dma_start3A_104 = tpu.memref_slice %arg7[%dma_start3A_102, %dma_start3A_103] : memref<10240x128xf32, #tpu.memory_space<vmem_shared>> -> memref<10240x128xf32, #tpu.memory_space<vmem_shared>>
        tpu.enqueue_indirect_dma source(%arg11 : memref<128x128xf32, #tpu.memory_space<vmem>>) target(%dma_start3A_104 : memref<10240x128xf32, #tpu.memory_space<vmem_shared>>) offsets(%dma_start3A_101 : memref<128xi32, #tpu.memory_space<vmem>>) semaphore(%run_scoped3A_99 : memref<!tpu.dma_semaphore, #tpu.memory_space<semaphore_mem>>) {add = true}
        %dma_wait3A = arith.constant 0 : i32
        %dma_wait3A_105 = tpu.memref_slice %arg9[%run_scoped3A_96, %dma_wait3A] : memref<1x128xi32, #tpu.memory_space<vmem>> -> memref<1x128xi32, #tpu.memory_space<vmem>>
        %dma_wait3A_106 = tpu.memref_squeeze %dma_wait3A_105 : memref<1x128xi32, #tpu.memory_space<vmem>> -> memref<128xi32, #tpu.memory_space<vmem>>
        %dma_wait3A_107 = arith.constant 0 : i32
        %dma_wait3A_108 = arith.constant 0 : i32
        %dma_wait3A_109 = tpu.memref_slice %arg7[%dma_wait3A_107, %dma_wait3A_108] : memref<10240x128xf32, #tpu.memory_space<vmem_shared>> -> memref<10240x128xf32, #tpu.memory_space<vmem_shared>>
        tpu.wait_indirect_dma semaphore(%run_scoped3A_99 : memref<!tpu.dma_semaphore, #tpu.memory_space<semaphore_mem>>) src(%arg11 : memref<128x128xf32, #tpu.memory_space<vmem>>) dst(%dma_wait3A_109 : memref<10240x128xf32, #tpu.memory_space<vmem_shared>>)
        tpu.yield
      }) : () -> ()
      %run_scoped3A_97 = arith.constant 0 : i32
      "tpu.region"() ({
        %run_scoped3A_99 = tpu.sem_alloc : memref<!tpu.dma_semaphore, #tpu.memory_space<semaphore_mem>>
        %dma_start3A = arith.constant 0 : i32
        %dma_start3A_100 = tpu.memref_slice %arg9[%run_scoped3A_97, %dma_start3A] : memref<1x128xi32, #tpu.memory_space<vmem>> -> memref<1x128xi32, #tpu.memory_space<vmem>>
        %dma_start3A_101 = tpu.memref_squeeze %dma_start3A_100 : memref<1x128xi32, #tpu.memory_space<vmem>> -> memref<128xi32, #tpu.memory_space<vmem>>
        %dma_start3A_102 = arith.constant 0 : i32
        %dma_start3A_103 = tpu.memref_slice %arg8[%dma_start3A_102] : memref<10240xf32, #tpu.memory_space<vmem_shared>> -> memref<10240xf32, #tpu.memory_space<vmem_shared>>
        tpu.enqueue_indirect_dma source(%arg12 : memref<128xf32, #tpu.memory_space<vmem>>) target(%dma_start3A_103 : memref<10240xf32, #tpu.memory_space<vmem_shared>>) offsets(%dma_start3A_101 : memref<128xi32, #tpu.memory_space<vmem>>) semaphore(%run_scoped3A_99 : memref<!tpu.dma_semaphore, #tpu.memory_space<semaphore_mem>>) {add = true}
        %dma_wait3A = arith.constant 0 : i32
        %dma_wait3A_104 = tpu.memref_slice %arg9[%run_scoped3A_97, %dma_wait3A] : memref<1x128xi32, #tpu.memory_space<vmem>> -> memref<1x128xi32, #tpu.memory_space<vmem>>
        %dma_wait3A_105 = tpu.memref_squeeze %dma_wait3A_104 : memref<1x128xi32, #tpu.memory_space<vmem>> -> memref<128xi32, #tpu.memory_space<vmem>>
        %dma_wait3A_106 = arith.constant 0 : i32
        %dma_wait3A_107 = tpu.memref_slice %arg8[%dma_wait3A_106] : memref<10240xf32, #tpu.memory_space<vmem_shared>> -> memref<10240xf32, #tpu.memory_space<vmem_shared>>
        tpu.wait_indirect_dma semaphore(%run_scoped3A_99 : memref<!tpu.dma_semaphore, #tpu.memory_space<semaphore_mem>>) src(%arg12 : memref<128xf32, #tpu.memory_space<vmem>>) dst(%dma_wait3A_107 : memref<10240xf32, #tpu.memory_space<vmem_shared>>)
        tpu.yield
      }) : () -> ()
      %while3A_98 = arith.constant 0 : i32
      scf.yield %while3A_98 : i32
    }
    %barrier3A_73 = arith.constant 0 : index
    tpu.barrier barrier_id(%barrier3A_73)
    "tpu.region"() ({
      %run_scoped3A = tpu.sem_alloc : memref<!tpu.dma_semaphore, #tpu.memory_space<semaphore_mem>>
      %dma_start3A = arith.constant 0 : i32
      %dma_start3A_76 = tpu.memref_slice %arg5[%arg0, %mul3A_0, %dma_start3A] : memref<2x10240x128xf32, #tpu.memory_space<hbm>> -> memref<1x640x128xf32, #tpu.memory_space<hbm>>
      %dma_start3A_77 = tpu.memref_squeeze %dma_start3A_76 : memref<1x640x128xf32, #tpu.memory_space<hbm>> -> memref<640x128xf32, #tpu.memory_space<hbm>>
      %dma_start3A_78 = arith.constant 0 : i32
      %dma_start3A_79 = tpu.memref_slice %arg7[%mul3A_0, %dma_start3A_78] : memref<10240x128xf32, #tpu.memory_space<vmem_shared>> -> memref<640x128xf32, #tpu.memory_space<vmem_shared>>
      tpu.enqueue_dma source(%dma_start3A_79 : memref<640x128xf32, #tpu.memory_space<vmem_shared>>) target(%dma_start3A_77 : memref<640x128xf32, #tpu.memory_space<hbm>>) target_semaphore(%run_scoped3A : memref<!tpu.dma_semaphore, #tpu.memory_space<semaphore_mem>>)
      %dma_wait3A = arith.constant 0 : i32
      %dma_wait3A_80 = tpu.memref_slice %arg5[%arg0, %mul3A_0, %dma_wait3A] : memref<2x10240x128xf32, #tpu.memory_space<hbm>> -> memref<1x640x128xf32, #tpu.memory_space<hbm>>
      %dma_wait3A_81 = tpu.memref_squeeze %dma_wait3A_80 : memref<1x640x128xf32, #tpu.memory_space<hbm>> -> memref<640x128xf32, #tpu.memory_space<hbm>>
      %dma_wait3A_82 = arith.constant 0 : i32
      %dma_wait3A_83 = tpu.memref_slice %arg7[%mul3A_0, %dma_wait3A_82] : memref<10240x128xf32, #tpu.memory_space<vmem_shared>> -> memref<640x128xf32, #tpu.memory_space<vmem_shared>>
      tpu.wait_dma2 semaphore(%run_scoped3A : memref<!tpu.dma_semaphore, #tpu.memory_space<semaphore_mem>>) src(%dma_wait3A_83 : memref<640x128xf32, #tpu.memory_space<vmem_shared>>) dst(%dma_wait3A_81 : memref<640x128xf32, #tpu.memory_space<hbm>>)
      tpu.yield
    }) : () -> ()
    %eq3A = arith.constant 0 : i32
    %eq3A_74 = arith.cmpi eq, %arg0, %eq3A : i32
    %convert_element_type3A = arith.extui %eq3A_74 : i1 to i32
    %cond3A = arith.constant 0 : i32
    %cond3A_75 = arith.cmpi ne, %convert_element_type3A, %cond3A : i32
    scf.if %cond3A_75 {
      "tpu.region"() ({
        %run_scoped3A = tpu.sem_alloc : memref<!tpu.dma_semaphore, #tpu.memory_space<semaphore_mem>>
        %dma_start3A = tpu.memref_slice %arg6[%mul3A_0] : memref<10240xf32, #tpu.memory_space<hbm>> -> memref<640xf32, #tpu.memory_space<hbm>>
        %dma_start3A_76 = tpu.memref_slice %arg8[%mul3A_0] : memref<10240xf32, #tpu.memory_space<vmem_shared>> -> memref<640xf32, #tpu.memory_space<vmem_shared>>
        tpu.enqueue_dma source(%dma_start3A_76 : memref<640xf32, #tpu.memory_space<vmem_shared>>) target(%dma_start3A : memref<640xf32, #tpu.memory_space<hbm>>) target_semaphore(%run_scoped3A : memref<!tpu.dma_semaphore, #tpu.memory_space<semaphore_mem>>)
        %dma_wait3A = tpu.memref_slice %arg6[%mul3A_0] : memref<10240xf32, #tpu.memory_space<hbm>> -> memref<640xf32, #tpu.memory_space<hbm>>
        %dma_wait3A_77 = tpu.memref_slice %arg8[%mul3A_0] : memref<10240xf32, #tpu.memory_space<vmem_shared>> -> memref<640xf32, #tpu.memory_space<vmem_shared>>
        tpu.wait_dma2 semaphore(%run_scoped3A : memref<!tpu.dma_semaphore, #tpu.memory_space<semaphore_mem>>) src(%dma_wait3A_77 : memref<640xf32, #tpu.memory_space<vmem_shared>>) dst(%dma_wait3A : memref<640xf32, #tpu.memory_space<hbm>>)
        tpu.yield
      }) : () -> ()
    } else {
    }
    return
  }
}

module attributes {stable_mosaic.version = 14 : i64} {
  func.func @_fin_body(%arg0: i32, %arg1: memref<2x1000x128xf32, #tpu.memory_space<vmem>>, %arg2: memref<1000x1xf32, #tpu.memory_space<vmem>>, %arg3: memref<1000x256xf32, #tpu.memory_space<vmem>>, %arg4: memref<1000x256xf32, #tpu.memory_space<vmem>>) attributes {dimension_semantics = [#tpu.dimension_semantics<arbitrary>], iteration_bounds = array<i64: 10>, scalar_prefetch = 0 : i64, scratch_operands = 0 : i64, tpu.core_type = #tpu.core_type<tc>, window_params = [{transform_indices = @transform_0, window_bounds = array<i64: 2, 1000, 128>}, {transform_indices = @transform_1, window_bounds = array<i64: 1000, 1>}, {transform_indices = @transform_2, window_bounds = array<i64: 1000, 256>}, {transform_indices = @transform_3, window_bounds = array<i64: 1000, 256>}]} {
    %get3A = arith.constant 0 : index
    %get3A_0 = arith.constant 0 : index
    %get3A_1 = vector.load %arg2[%get3A, %get3A_0] : memref<1000x1xf32, #tpu.memory_space<vmem>>, vector<1000x1xf32>
    %max3A = arith.constant 1.000000e+00 : f32
    %max3A_2 = vector.broadcast %max3A : f32 to vector<1000x1xf32>
    %max3A_3 = arith.maximumf %get3A_1, %max3A_2 : vector<1000x1xf32>
    %get3A_4 = arith.constant 0 : index
    %get3A_5 = arith.constant 0 : index
    %get3A_6 = arith.constant 0 : index
    %get3A_7 = vector.load %arg1[%get3A_4, %get3A_5, %get3A_6] : memref<2x1000x128xf32, #tpu.memory_space<vmem>>, vector<1x1000x128xf32>
    %get3A_8 = vector.shape_cast %get3A_7 : vector<1x1000x128xf32> to vector<1000x128xf32>
    %get3A_9 = arith.constant 1 : index
    %get3A_10 = arith.constant 0 : index
    %get3A_11 = arith.constant 0 : index
    %get3A_12 = vector.load %arg1[%get3A_9, %get3A_10, %get3A_11] : memref<2x1000x128xf32, #tpu.memory_space<vmem>>, vector<1x1000x128xf32>
    %get3A_13 = vector.shape_cast %get3A_12 : vector<1x1000x128xf32> to vector<1000x128xf32>
    %concatenate3A = tpu.concatenate %get3A_8, %get3A_13 in 1 : vector<1000x128xf32>, vector<1000x128xf32> -> vector<1000x256xf32>
    %div3A = vector.broadcast %max3A_3 : vector<1000x1xf32> to vector<1000x256xf32>
    %div3A_14 = arith.divf %concatenate3A, %div3A : vector<1000x256xf32>
    %get3A_15 = arith.constant 0 : index
    %get3A_16 = arith.constant 0 : index
    %get3A_17 = vector.load %arg3[%get3A_15, %get3A_16] : memref<1000x256xf32, #tpu.memory_space<vmem>>, vector<1000x256xf32>
    %add3A = arith.addf %div3A_14, %get3A_17 : vector<1000x256xf32>
    %swap3A = arith.constant 0 : index
    %swap3A_18 = arith.constant 0 : index
    %swap3A_19 = vector.load %arg4[%swap3A, %swap3A_18] : memref<1000x256xf32, #tpu.memory_space<vmem>>, vector<1000x256xf32>
    tpu.vector_store %arg4[%swap3A, %swap3A_18], %add3A {strides = array<i32>} : memref<1000x256xf32, #tpu.memory_space<vmem>>, vector<1000x256xf32>,
    return
  }
  func.func @transform_0(%arg0: i32) -> (i32, i32, i32) {
    %c0_i32 = arith.constant 0 : i32
    %c0_i32_0 = arith.constant 0 : i32
    %c0_i32_1 = arith.constant 0 : i32
    return %c0_i32, %arg0, %c0_i32_0 : i32, i32, i32
  }
  func.func @transform_1(%arg0: i32) -> (i32, i32) {
    %c0_i32 = arith.constant 0 : i32
    %c0_i32_0 = arith.constant 0 : i32
    return %arg0, %c0_i32 : i32, i32
  }
  func.func @transform_2(%arg0: i32) -> (i32, i32) {
    %c0_i32 = arith.constant 0 : i32
    %c0_i32_0 = arith.constant 0 : i32
    return %arg0, %c0_i32 : i32, i32
  }
  func.func @transform_3(%arg0: i32) -> (i32, i32) {
    %c0_i32 = arith.constant 0 : i32
    %c0_i32_0 = arith.constant 0 : i32
    return %arg0, %c0_i32 : i32, i32
  }
}

module attributes {stable_mosaic.version = 14 : i64} {
  func.func @_mm_body(%arg0: i32, %arg1: memref<1000x256xf32, #tpu.memory_space<vmem>>, %arg2: memref<256x512xf32, #tpu.memory_space<vmem>>, %arg3: memref<1x256xf32, #tpu.memory_space<vmem>>, %arg4: memref<1000x128xf32, #tpu.memory_space<vmem>>, %arg5: memref<1000x128xf32, #tpu.memory_space<vmem>>, %arg6: memref<1000x256xf32, #tpu.memory_space<vmem>>) attributes {dimension_semantics = [#tpu.dimension_semantics<arbitrary>], iteration_bounds = array<i64: 10>, scalar_prefetch = 0 : i64, scratch_operands = 0 : i64, tpu.core_type = #tpu.core_type<tc>, window_params = [{transform_indices = @transform_0, window_bounds = array<i64: 1000, 256>}, {pipeline_mode = #tpu.pipeline_mode<synchronous>, transform_indices = @transform_1, window_bounds = array<i64: 256, 512>}, {pipeline_mode = #tpu.pipeline_mode<synchronous>, transform_indices = @transform_2, window_bounds = array<i64: 1, 256>}, {transform_indices = @transform_3, window_bounds = array<i64: 1000, 128>}, {transform_indices = @transform_4, window_bounds = array<i64: 1000, 128>}, {transform_indices = @transform_5, window_bounds = array<i64: 1000, 256>}]} {
    %get3A = arith.constant 0 : index
    %get3A_0 = arith.constant 0 : index
    %get3A_1 = vector.load %arg1[%get3A, %get3A_0] : memref<1000x256xf32, #tpu.memory_space<vmem>>, vector<1000x256xf32>
    %get3A_2 = arith.constant 0 : index
    %get3A_3 = arith.constant 0 : index
    %get3A_4 = vector.load %arg2[%get3A_2, %get3A_3] : memref<256x512xf32, #tpu.memory_space<vmem>>, vector<256x512xf32>
    %dot_general3A = arith.constant dense<0.000000e+00> : vector<1000x512xf32>
    %dot_general3A_5 = tpu.matmul %get3A_1, %get3A_4, %dot_general3A {dimension_numbers = #tpu.dot_dimension_numbers<[1], [0], [0], [1], [0, 0, 1, 1], [], []>, transpose_lhs_hint = false} : vector<1000x256xf32>, vector<256x512xf32>, vector<1000x512xf32> -> vector<1000x512xf32>
    %slice3A = vector.extract_strided_slice %dot_general3A_5 {offsets = [0, 0], sizes = [1000, 128], strides = [1, 1]} : vector<1000x512xf32> to vector<1000x128xf32>
    %swap3A = arith.constant 0 : index
    %swap3A_6 = arith.constant 0 : index
    %swap3A_7 = vector.load %arg4[%swap3A, %swap3A_6] : memref<1000x128xf32, #tpu.memory_space<vmem>>, vector<1000x128xf32>
    tpu.vector_store %arg4[%swap3A, %swap3A_6], %slice3A {strides = array<i32>} : memref<1000x128xf32, #tpu.memory_space<vmem>>, vector<1000x128xf32>,
    %slice3A_8 = vector.extract_strided_slice %dot_general3A_5 {offsets = [0, 128], sizes = [1000, 128], strides = [1, 1]} : vector<1000x512xf32> to vector<1000x128xf32>
    %swap3A_9 = arith.constant 0 : index
    %swap3A_10 = arith.constant 0 : index
    %swap3A_11 = vector.load %arg5[%swap3A_9, %swap3A_10] : memref<1000x128xf32, #tpu.memory_space<vmem>>, vector<1000x128xf32>
    tpu.vector_store %arg5[%swap3A_9, %swap3A_10], %slice3A_8 {strides = array<i32>} : memref<1000x128xf32, #tpu.memory_space<vmem>>, vector<1000x128xf32>,
    %slice3A_12 = vector.extract_strided_slice %dot_general3A_5 {offsets = [0, 256], sizes = [1000, 256], strides = [1, 1]} : vector<1000x512xf32> to vector<1000x256xf32>
    %get3A_13 = arith.constant 0 : index
    %get3A_14 = arith.constant 0 : index
    %get3A_15 = vector.load %arg3[%get3A_13, %get3A_14] : memref<1x256xf32, #tpu.memory_space<vmem>>, vector<1x256xf32>
    %add3A = vector.broadcast %get3A_15 : vector<1x256xf32> to vector<1000x256xf32>
    %add3A_16 = arith.addf %slice3A_12, %add3A : vector<1000x256xf32>
    %swap3A_17 = arith.constant 0 : index
    %swap3A_18 = arith.constant 0 : index
    %swap3A_19 = vector.load %arg6[%swap3A_17, %swap3A_18] : memref<1000x256xf32, #tpu.memory_space<vmem>>, vector<1000x256xf32>
    tpu.vector_store %arg6[%swap3A_17, %swap3A_18], %add3A_16 {strides = array<i32>} : memref<1000x256xf32, #tpu.memory_space<vmem>>, vector<1000x256xf32>,
    return
  }
  func.func @transform_0(%arg0: i32) -> (i32, i32) {
    %c0_i32 = arith.constant 0 : i32
    %c0_i32_0 = arith.constant 0 : i32
    return %arg0, %c0_i32 : i32, i32
  }
  func.func @transform_1(%arg0: i32) -> (i32, i32) {
    %c0_i32 = arith.constant 0 : i32
    %c0_i32_0 = arith.constant 0 : i32
    %c0_i32_1 = arith.constant 0 : i32
    return %c0_i32, %c0_i32_0 : i32, i32
  }
  func.func @transform_2(%arg0: i32) -> (i32, i32) {
    %c0_i32 = arith.constant 0 : i32
    %c0_i32_0 = arith.constant 0 : i32
    %c0_i32_1 = arith.constant 0 : i32
    return %c0_i32, %c0_i32_0 : i32, i32
  }
  func.func @transform_3(%arg0: i32) -> (i32, i32) {
    %c0_i32 = arith.constant 0 : i32
    %c0_i32_0 = arith.constant 0 : i32
    return %arg0, %c0_i32 : i32, i32
  }
  func.func @transform_4(%arg0: i32) -> (i32, i32) {
    %c0_i32 = arith.constant 0 : i32
    %c0_i32_0 = arith.constant 0 : i32
    return %arg0, %c0_i32 : i32, i32
  }
  func.func @transform_5(%arg0: i32) -> (i32, i32) {
    %c0_i32 = arith.constant 0 : i32
    %c0_i32_0 = arith.constant 0 : i32
    return %arg0, %c0_i32 : i32, i32
  }
}

</mosaic_0001>

<sc_bundles>
// kernel: kernel.5.cloned.1.call-start
scs
__scs_entry_jumppad:
0x0: {  	(pc) =	sbr.rel $0x88, $3  }
0x1: {  	(tag) =	ssettag $0x0;
	lr =	simm.s32 $0x1  }
0x2: {  	[smem:$0x3F9C] =	sst lr;
	_ =	strace $0xD0000000  }
0x3: {  	_ = 	snop  }
0x4: {  	_ = 	snop  }
0x5: {  	_ = 	snop  }
0x6: {  	_ = 	snop  }
0x7: {  	_ = 	snop  }
__scs_overlays_trampoline_lowered:
0x8: {  	[smem:$0x3FAB] =	sst s0  }
0x9: {  	[smem:$0x3FAC] =	sst s1  }
0xa: {  	[smem:$0x3FAD] =	sst s2  }
0xb: {  	[smem:$0x3FAE] =	sst s3  }
0xc: {  	[smem:$0x3FAF] =	sst s4  }
0xd: {  	[smem:$0x3FB0] =	sst s5  }
0xe: {  	[smem:$0x3FB1] =	sst s6  }
0xf: {  	[smem:$0x3FB2] =	sst s7  }
0x10: {  	[smem:$0x3FB3] =	sst s8  }
0x11: {  	[smem:$0x3FB4] =	sst s9;
	s0 =	simm.s32 @!p0 $0x0  }
0x12: {  	s1 =	sld [smem:$0x3F9A];
	s0 =	simm.s32 @p0 $0x1  }
0x13: {  	[smem:$0x3FB5] =	sst s0;
	s0 =	simm.s32 @!p1 $0x0  }
0x14: {  	s2 =	sld [smem:$0x3F99];
	s0 =	simm.s32 @p1 $0x1  }
0x15: {  	[smem:$0x3FB6] =	sst s0;
	s0 =	simm.s32 @!p2 $0x0  }
0x16: {  	s3 =	sld [smem:$0x3FDB];
	s0 =	simm.s32 @p2 $0x1  }
0x17: {  	s4 =	simm.s32 $0x1BF5;
	[smem:$0x3FB8] =	sst s0  }
0x18: {  	s0 =	sld [smem:$0x3F9B];
	_ =	swait.ge [sflag:s4], $0x0  }
0x19: {  	s7 =	sld [smem:$0x3F9C]  }
0x1a: {  	s8 =	sadd.s32 $0xFFFFE003, lr  }
0x1b: {  	s9 =	sadd.s32 $0xFFFFFEF7, lr;
	s5 =	simm.s32 $0xFFFFFFFF;
	p2 =	slt.u32 s8, $0xFFFFF086  }
0x1c: {  	p1 =	slt.u32 s9, $0xF7A;
	s5 =	simm.s32 @!p2 $0x0  }
0x1d: {  	s5 =	simm.s32 @p1 $0x1;
	p0 =	seq.s32 s7, s2  }
0x1e: {  	s7 =	smul.u32 @!p0 $0xF7A, s2;
	p2 =	seq.s32 @!p0 s5, $0x0  }
0x1f: {  	s9 =	smul.u32 $0xF7A, s1;
	s8 =	simm.s32 @!p0 $0x1BF5;
	p2 =	por !p2, p0  }
0x20: {  	[sflag:s8] =	ssyncset.s32 @!p0 $0xFFFFF086;
	s6 =	sadd.s32 @!p0 s3, s7;
	s7 =	simm.s32 @!p0 $0x108  }
0x21: {  	s3 =	sadd.s32 s3, s9;
	s6 =	sadd.s32 @!p0 $0x88, s6;
	s7 =	simm.s32 @p2 $0x1082  }
0x22: {  	[simem:s7], [sflag:s8] =	dma.local @!p0 [hbm:s6], $0xF7A  }
0x23: {  	s9 =	sor.u32 $0xD0000000, s2;
	s6 =	simm.s32 $0x108;
	_ =	swait.ge @!p0 [sflag:s8], $0x0  }
0x24: {  	s3 =	sadd.s32 $0x88, s3;
	s6 =	simm.s32 @!p1 $0x1082;
	[sflag:s4] =	ssyncset.s32 $0xFFFFF086  }
0x25: {  	[simem:s6], [sflag:s4] =	dma.local [hbm:s3], $0xF7A  }
0x26: {  	[smem:$0x3F9C] =	sst s1;
	(tag) =	ssettag s2;
	_ =	strace s9  }
0x27: {  	s1 =	sld [smem:$0x3FAC]  }
0x28: {  	s2 =	sld [smem:$0x3FAD]  }
0x29: {  	s4 =	sld [smem:$0x3FAF]  }
0x2a: {  	p0 =	seq.s32 s5, $0x0;
	s5 =	sld [smem:$0x3FB0]  }
0x2b: {  	s6 =	sld [smem:$0x3FB1]  }
0x2c: {  	s7 =	sld [smem:$0x3FB2]  }
0x2d: {  	s3 =	simm.s32 $0x108;
	s8 =	sld [smem:$0x3FB3]  }
0x2e: {  	s3 =	simm.s32 @!p0 $0x1082;
	s9 =	sld [smem:$0x3FB4]  }
0x2f: {  	lr =	sadd.s32 s0, s3;
	s0 =	sld [smem:$0x3FAB]  }
0x30: {  	s3 =	sld [smem:$0x3FAE]  }
0x31: {  	[smem:$0x3FB7] =	sst s10  }
0x32: {  	s10 =	sld [smem:$0x3FB5];
	_ =	sdelay $0x3  }
0x33: {  	p0 =	seq.s32 s10, $0x1;
	s10 =	sld [smem:$0x3FB7];
	_ =	sdelay $0x3  }
0x34: {  	[smem:$0x3FB7] =	sst s10  }
0x35: {  	s10 =	sld [smem:$0x3FB6];
	_ =	sdelay $0x3  }
0x36: {  	p1 =	seq.s32 s10, $0x1;
	s10 =	sld [smem:$0x3FB7];
	_ =	sdelay $0x3  }
0x37: {  	[smem:$0x3FB7] =	sst s10  }
0x38: {  	s10 =	sld [smem:$0x3FB8]  }
0x39: {  	_ = 	snop;
	(pc) =	sbr.ind lr, $3  }
0x3a: {  	_ = 	snop  }
0x3b: {  	_ = 	snop  }
0x3c: {  	p2 =	seq.s32 s10, $0x1;
	s10 =	sld [smem:$0x3FB7]  }
0x3d: {  	_ =	shalt  }
0x3e: {  	_ =	shalt  }
0x3f: {  	_ =	shalt  }
0x40: {  	_ =	shalt  }
0x41: {  	_ =	shalt  }
0x42: {  	_ =	shalt  }
0x43: {  	_ =	shalt  }
0x44: {  	_ =	shalt  }
0x45: {  	_ =	shalt  }
0x46: {  	_ =	shalt  }
0x47: {  	_ =	shalt  }
0x48: {  	_ =	shalt  }
0x49: {  	_ =	shalt  }
0x4a: {  	_ =	shalt  }
0x4b: {  	_ =	shalt  }
0x4c: {  	_ =	shalt  }
0x4d: {  	_ =	shalt  }
0x4e: {  	_ =	shalt  }
0x4f: {  	_ =	shalt  }
0x50: {  	_ =	shalt  }
0x51: {  	_ =	shalt  }
0x52: {  	_ =	shalt  }
0x53: {  	_ =	shalt  }
0x54: {  	_ =	shalt  }
0x55: {  	_ =	shalt  }
0x56: {  	_ =	shalt  }
0x57: {  	_ =	shalt  }
0x58: {  	_ =	shalt  }
0x59: {  	_ =	shalt  }
0x5a: {  	_ =	shalt  }
0x5b: {  	_ =	shalt  }
0x5c: {  	_ =	shalt  }
0x5d: {  	_ =	shalt  }
0x5e: {  	_ =	shalt  }
0x5f: {  	_ =	shalt  }
0x60: {  	_ =	shalt  }
0x61: {  	_ =	shalt  }
0x62: {  	_ =	shalt  }
0x63: {  	_ =	shalt  }
0x64: {  	_ =	shalt  }
0x65: {  	_ =	shalt  }
0x66: {  	_ =	shalt  }
0x67: {  	_ =	shalt  }
0x68: {  	_ =	shalt  }
0x69: {  	_ =	shalt  }
0x6a: {  	_ =	shalt  }
0x6b: {  	_ =	shalt  }
0x6c: {  	_ =	shalt  }
0x6d: {  	_ =	shalt  }
0x6e: {  	_ =	shalt  }
0x6f: {  	_ =	shalt  }
0x70: {  	_ =	shalt  }
0x71: {  	_ =	shalt  }
0x72: {  	_ =	shalt  }
0x73: {  	_ =	shalt  }
0x74: {  	_ =	shalt  }
0x75: {  	_ =	shalt  }
0x76: {  	_ =	shalt  }
0x77: {  	_ =	shalt  }
0x78: {  	_ =	shalt  }
0x79: {  	_ =	shalt  }
0x7a: {  	_ =	shalt  }
0x7b: {  	_ =	shalt  }
0x7c: {  	_ =	shalt  }
0x7d: {  	_ =	shalt  }
0x7e: {  	_ =	shalt  }
0x7f: {  	_ =	shalt  }
0x80: {  	_ =	shalt  }
0x81: {  	_ =	shalt  }
0x82: {  	_ =	shalt  }
0x83: {  	_ =	shalt  }
0x84: {  	_ =	shalt  }
0x85: {  	_ =	shalt  }
0x86: {  	_ =	shalt  }
0x87: {  	_ =	shalt  }
.Lfunc_end0:
.L_simem_size_0:
called_computation_lowered:
.L_overlay_start_0:
0x88: {  	s2 =	sld [smem:$0x3FD9]  }
0x89: {  	s3 =	sld [smem:$0x3FFE];
	_ =	sdelay $0x1  }
0x8a: {  	s1 =	srdreg.scid  }
0x8b: {  	s0 =	sand.u32 $0x1, s1  }
0x8c: {  	s17 =	sshll.u32 s0, $0xA;
	s2 =	sadd.s32 s3, s2  }
0x8d: {  	s2 =	sadd.s32 s2, s17  }
0x8e: {  	[smem:$0x3FC3] =	sst s2  }
0x8f: {  	_ = 	snop  }
0x90: {  	s2 =	sld [smem:$0x3FC8]  }
0x91: {  	s18 =	sld [smem:$0x3FD0];
	(tm) =	ssettm $0x1  }
0x92: {  	s4 =	sld [smem:$0x3FFB];
	_ =	sdelay $0x3  }
0x93: {  	_ =	strace s4  }
0x94: {  	s4 =	sld [smem:$0x3FFC];
	_ =	sdelay $0x3  }
0x95: {  	_ =	strace s4  }
0x96: {  	s4 =	sld [smem:$0x3FFD];
	_ =	sdelay $0x3  }
0x97: {  	_ =	strace s4  }
0x98: {  	_ =	strace $0x8FFFFFFF  }
0x99: {  	s19 =	sld [smem:$0x3FDB];
	_ =	sdelay $0x1  }
0x9a: {  	s5 =	simm.s32 $_scs_section_size  }
0x9b: {  	s6 =	simm.s32 $_size__tile_overlayer_lowered;
	s7 =	simm.s32 $_tile_overlayer_lowered  }
0x9c: {  	s22 =	simm.s32 $0x1BFF;
	s21 =	sshll.u32 s7, $0x1;
	s4 =	sadd.s32 s5, s19  }
0x9d: {  	s8 =	simm.s32 $0x0;
	s20 =	sshll.u32 s6, $0x1;
	s6 =	sadd.s32 s21, s4  }
0x9e: {  	[timem:s8], [sflag:s22] =	dma.local [hbm:s6], s20  }
0x9f: {  	_ =	swait.ge [sflag:s22], s20  }
0xa0: {  	s5 =	ssub.s32 $0x0, s20;
	[sflag:s22] =	ssyncset.done $0x0  }
0xa1: {  	[sflag:s22] =	ssyncadd.s32 s5;
	_ =	sdelay $0x1  }
0xa2: {  	s23 =	simm.s32 $0x1B8B  }
0xa3: {  	_ =	swait.ge [sflag:s23], $0x1  }
0xa4: {  	[sflag:s23] =	ssyncset.done $0x0  }
0xa5: {  	s25 =	simm.s32 $0x1B8E;
	s24 =	sld [smem:$0x3FFE];
	[sflag:s23] =	ssyncadd.s32 $0xFFFFFFFF  }
0xa6: {  	s26 =	simm.s32 $execute0_lowered;
	[smem:$0x3FD2] =	sst s25  }
0xa7: {  	s6 =	sshll.u32 s26, $0x1;
	_ =	strace $0x80000046;
	[dreg:$0x1] =	wrdreg $0xFFFFFFFF  }
0xa8: {  	s28 =	simm.s32 $_size_execute0_lowered;
	s4 =	sadd.s32 s4, s6;
	[dreg:$0x0] =	wrdreg $0x0  }
0xa9: {  	s6 =	sshll.u32 s28, $0x1;
	[dreg:$0x2] =	wrdreg s4  }
0xaa: {  	[dreg:$0x3] =	wrdreg s6  }
0xab: {  	[dreg:$0x4] =	wrdreg $0xC0  }
0xac: {  	_ =	task [dreg:s8], $0x5FFFF  }
0xad: {  	[dreg:$0x1] =	wrdreg $0xFFFFFFFF  }
0xae: {  	[dreg:$0x0] =	wrdreg $0x60  }
0xaf: {  	[dreg:$0x2] =	wrdreg s18  }
0xb0: {  	[dreg:$0x3] =	wrdreg s24  }
0xb1: {  	[dreg:$0x4] =	wrdreg s2  }
0xb2: {  	[dreg:$0x5] =	wrdreg $0x0  }
0xb3: {  	[dreg:$0x6] =	wrdreg $0x140000  }
0xb4: {  	[dreg:$0x7] =	wrdreg $0x9  }
0xb5: {  	_ =	task.clear_ibuf [dreg:s8], $0x8FFFF;
	_ =	strace $0x90000046  }
0xb6: {  	s29 =	simm.s32 $0x9;
	_ =	strace $0x80000048  }
0xb7: {  	_ =	swait.ge [sflag:s29], $0x1  }
0xb8: {  	[sflag:s29] =	ssyncadd.s32 $0xFFFFFFFF  }
0xb9: {  	_ =	strace $0x90000048  }
0xba: {  	_ =	sfence  }
0xbb: {  	s30 =	sld [smem:$0x0];
	_ =	sdelay $0x2  }
0xbc: {  	s31 =	sshll.u32 s1, $0xD;
	s1 =	sshrl.u32 s1, $0x2  }
0xbd: {  	s3 =	sand.u32 $0x4000, s31;
	s1 =	sadd.s32 s1, s30  }
0xbe: {  	s0 =	sor.u32 s3, s0;
	s1 =	sshll.u32 s1, $0x11  }
0xbf: {  	s0 =	sor.u32 s1, s0  }
0xc0: {  	s0 =	sadd.s32 $0x8F2B, s0  }
0xc1: {  	[sflag:s0] =	ssyncadd.remote.s32 $0x1  }
0xc2: {  	_ =	sfence.sel $0xFFFF  }
0xc3: {  	[dreg:$0x0] =	wrdreg $0xFFFFFFFF;
	(pc) =	sbr.abs _section_cstart, $3  }
0xc4: {  	[dreg:$0x1] =	wrdreg $0xFFFFFFFF  }
0xc5: {  	_ =	task.clear_ibuf [dreg:s8], $0x2FFFF;
	_ =	strace $0x9FFFFFFF  }
0xc6: {  	(tm) =	ssettm $0x7FFFFFFF  }
0xc7: {  	_ =	shalt  }
tec
execute0_lowered:
.L_overlay_start_1:
0x0: {  	(tag) =	ssettag $0x1  }
0x1: {  	s0 =	rddreg [dreg:$0x0]  }
0x2: {  	s6 =	rddreg [dreg:$0x1]  }
0x3: {  	s19 =	rddreg [dreg:$0x2]  }
0x4: {  	s1 =	srdreg.scid;
	s3 =	rddreg [dreg:$0x3]  }
0x5: {  	s4 =	rddreg [dreg:$0x4];
	s5 =	simm.s32 $0x0;
	s25 =	sand.u32 $0x1, s1  }
0x6: {  	s28 =	simm.s32 $0x1;
	s1 =	stileid.u32;
	s7 =	smul.u32 $0x140000, s25  }
0x7: {  	s29 =	simm.s32 $0x0;
	[smem:$0x7FF] =	sst s5;
	s8 =	smul.u32 $0x14000, s1  }
0x8: {  	s20 =	sadd.s32 $0x1000, s6;
	s12 =	smul.u32 $0x280, s1;
	_ =	strace $0x80000047  }
0x9: {  	s9 =	ssub.s32 $0x2, s25;
	s10 =	smul.u32 $0x50000, s1;
	s16 =	ssub.s32 $0x4F1, s1  }
0xa: {  	p0 =	seq.s32 s25, $0x1;
	s22 =	sshrl.u32 s9, $0x1;
	s16 =	sshrl.u32 s16, $0x4  }
0xb: {  	s0 =	smov.u32 @p0 s20;
	p0 =	sne.s32 s25, $0x0;
	s25 =	simm.s32 $0x14300  }
0xc: {  	s7 =	sadd.s32 s8, s7;
	s21 =	sshrl.u32 s12, $0x3;
	s23 =	sshrl.u32 s10, $0x2  }
0xd: {  	s24 =	sadd.s32 $0x80, s12;
	s11 =	sadd.s32 $0x100, s12;
	s13 =	sadd.s32 $0x180, s12  }
0xe: {  	s15 =	sadd.s32 $0x200, s12;
	s7 =	sshrl.u32 s7, $0x3;
	s18 =	sadd.s32 s21, s6  }
0xf: {  	s21 =	ssub.s32 s9, s22;
	s26 =	sshll.u32 s24, $0x7;
	s30 =	sshll.u32 s11, $0x7  }
0x10: {  	s9 =	sadd.s32 s24, s4;
	s11 =	sadd.s32 s11, s4;
	s14 =	sshll.u32 s13, $0x7  }
0x11: {  	s13 =	sadd.s32 s13, s4;
	s31 =	sshll.u32 s15, $0x7;
	s15 =	sadd.s32 s15, s4  }
0x12: {  	s22 =	sshll.u32 s1, $0x5;
	s24 =	simm.s32 $0x14280;
	s17 =	sadd.s32 s7, s6  }
0x13: {  	s6 =	sadd.s32 s23, s3;
	s7 =	sadd.s32 s12, s4;
	s8 =	sadd.s32 s26, s3  }
0x14: {  	s10 =	sadd.s32 s30, s3;
	s12 =	sadd.s32 s14, s3;
	s14 =	sadd.s32 s31, s3  }
0x15: {  	s18 =	sadd.s32 $0x28200, s18;
	s22 =	sadd.s32 s22, s19;
	s19 =	smax.u32 s21, $0x1  }
0x16: {  	s21 =	simm.s32 $0x14380;
	s23 =	simm.s32 $0x18380;
	s26 =	simm.s32 $0x80  }
0x17: {  	v0 =	vimm.f32 $0.0e+00;
	v1 =	vimm.f32 $1.000000000e+00;
	s17 =	sadd.s32 $0x28800, s17;
	s20 =	sadd.s32 $0x10, s22;
	s22 =	simm.s32 $0x2  }
.LBB2_1:
0x18: {  	s30 =	simm.s32 $0x0;
	s31 =	simm.s32 $0x200  }
.LBB2_2:
0x19: {  	p1 =	sne.s32 s31, $0xFE00;
	[tilespmem:s30+$0x143F0] =	vst v0  }
0x1a: {  	[tilespmem:s30+$0x14380] =	vst v0  }
0x1b: {  	[tilespmem:s30+$0x14390] =	vst v0  }
.Ltmp0:
0x1c: {  	[tilespmem:s30+$0x143A0] =	vst v0;
	(pc) =	sbr.rel @p1 .LBB2_2-.Ltmp0, $4  }
0x1d: {  	[tilespmem:s30+$0x143B0] =	vst v0  }
0x1e: {  	[tilespmem:s30+$0x143C0] =	vst v0  }
0x1f: {  	[tilespmem:s30+$0x143D0] =	vst v0  }
0x20: {  	[tilespmem:s30+$0x143E0] =	vst v0;
	s30 =	sshra.s32 s31, $0x2;
	s31 =	sadd.s32 $0x200, s31  }
0x21: {  	[tilespmem:s30+$0x143F0] =	vst v0  }
0x22: {  	[tilespmem:s30+$0x14380] =	vst v0  }
0x23: {  	[tilespmem:s30+$0x14390] =	vst v0  }
0x24: {  	[tilespmem:s30+$0x143A0] =	vst v0  }
0x25: {  	[tilespmem:s30+$0x143B0] =	vst v0  }
0x26: {  	[tilespmem:s30+$0x143C0] =	vst v0  }
0x27: {  	[tilespmem:s30+$0x143D0] =	vst v0  }
0x28: {  	[tilespmem:s30+$0x143E0] =	vst v0  }
0x29: {  	[tilespmem:$0x18380] =	vst v0  }
0x2a: {  	[tilespmem:$0x18390] =	vst v0  }
0x2b: {  	[tilespmem:$0x183A0] =	vst v0  }
0x2c: {  	[tilespmem:$0x183B0] =	vst v0  }
0x2d: {  	[tilespmem:$0x183C0] =	vst v0  }
0x2e: {  	[tilespmem:$0x183D0] =	vst v0  }
0x2f: {  	[tilespmem:$0x183E0] =	vst v0  }
0x30: {  	[tilespmem:$0x183F0] =	vst v0  }
0x31: {  	[spmem:s6] =	stream.linear.scatter [tilespmem:s21], [sflag:$0x2], $0x4000, $0x38;
	[tilespmem:$0x18400] =	vst v63  }
0x32: {  	_ =	swait.ge [sflag:s22], $0x4000  }
0x33: {  	[sflag:s22] =	ssyncset.done $0x0  }
0x34: {  	[sflag:s22] =	ssyncadd.s32 $0xFFFFC000  }
0x35: {  	[spmem:s7] =	stream.linear.scatter [tilespmem:s23], [sflag:$0x2], $0x80, $0x38;
	[tilespmem:$0x18400] =	vst v63  }
0x36: {  	_ =	swait.ge [sflag:s22], $0x80  }
0x37: {  	[sflag:s22] =	ssyncset.done $0x0  }
0x38: {  	[sflag:s22] =	ssyncadd.s32 $0xFFFFFF80  }
0x39: {  	[spmem:s8] =	stream.linear.scatter [tilespmem:s21], [sflag:$0x2], $0x4000, $0x38;
	[tilespmem:$0x18400] =	vst v63  }
0x3a: {  	_ =	swait.ge [sflag:s22], $0x4000  }
0x3b: {  	[sflag:s22] =	ssyncset.done $0x0  }
0x3c: {  	[sflag:s22] =	ssyncadd.s32 $0xFFFFC000  }
0x3d: {  	[spmem:s9] =	stream.linear.scatter [tilespmem:s23], [sflag:$0x2], $0x80, $0x38;
	[tilespmem:$0x18400] =	vst v63  }
0x3e: {  	_ =	swait.ge [sflag:s22], $0x80  }
0x3f: {  	[sflag:s22] =	ssyncset.done $0x0  }
0x40: {  	[sflag:s22] =	ssyncadd.s32 $0xFFFFFF80  }
0x41: {  	[spmem:s10] =	stream.linear.scatter [tilespmem:s21], [sflag:$0x2], $0x4000, $0x38;
	[tilespmem:$0x18400] =	vst v63  }
0x42: {  	_ =	swait.ge [sflag:s22], $0x4000  }
0x43: {  	[sflag:s22] =	ssyncset.done $0x0  }
0x44: {  	[sflag:s22] =	ssyncadd.s32 $0xFFFFC000  }
0x45: {  	[spmem:s11] =	stream.linear.scatter [tilespmem:s23], [sflag:$0x2], $0x80, $0x38;
	[tilespmem:$0x18400] =	vst v63  }
0x46: {  	_ =	swait.ge [sflag:s22], $0x80  }
0x47: {  	[sflag:s22] =	ssyncset.done $0x0  }
0x48: {  	[sflag:s22] =	ssyncadd.s32 $0xFFFFFF80  }
0x49: {  	[spmem:s12] =	stream.linear.scatter [tilespmem:s21], [sflag:$0x2], $0x4000, $0x38;
	[tilespmem:$0x18400] =	vst v63  }
0x4a: {  	_ =	swait.ge [sflag:s22], $0x4000  }
0x4b: {  	[sflag:s22] =	ssyncset.done $0x0  }
0x4c: {  	[sflag:s22] =	ssyncadd.s32 $0xFFFFC000  }
0x4d: {  	[spmem:s13] =	stream.linear.scatter [tilespmem:s23], [sflag:$0x2], $0x80, $0x38;
	[tilespmem:$0x18400] =	vst v63  }
0x4e: {  	_ =	swait.ge [sflag:s22], $0x80  }
0x4f: {  	[sflag:s22] =	ssyncset.done $0x0  }
0x50: {  	[sflag:s22] =	ssyncadd.s32 $0xFFFFFF80  }
0x51: {  	[spmem:s14] =	stream.linear.scatter [tilespmem:s21], [sflag:$0x2], $0x4000, $0x38;
	[tilespmem:$0x18400] =	vst v63  }
0x52: {  	_ =	swait.ge [sflag:s22], $0x4000  }
0x53: {  	[sflag:s22] =	ssyncset.done $0x0  }
0x54: {  	[sflag:s22] =	ssyncadd.s32 $0xFFFFC000  }
0x55: {  	[spmem:s15] =	stream.linear.scatter [tilespmem:s23], [sflag:$0x2], $0x80, $0x38;
	[tilespmem:$0x18400] =	vst v63  }
0x56: {  	_ =	swait.ge [sflag:s22], $0x80  }
0x57: {  	[sflag:s22] =	ssyncset.done $0x0  }
0x58: {  	[sflag:s22] =	ssyncadd.s32 $0xFFFFFF80  }
0x59: {  	[tilespmem:$0x18380] =	vst v1  }
0x5a: {  	[tilespmem:$0x18390] =	vst v1  }
0x5b: {  	[tilespmem:$0x183A0] =	vst v1  }
0x5c: {  	[tilespmem:$0x183B0] =	vst v1  }
0x5d: {  	p2 =	sne.s32 s16, $0x1;
	[tilespmem:$0x183C0] =	vst v1  }
.Ltmp1:
0x5e: {  	[tilespmem:$0x183D0] =	vst v1;
	(pc) =	sbr.rel @!p2 .LBB2_6-.Ltmp1, $4  }
0x5f: {  	[tilespmem:$0x183E0] =	vst v1  }
0x60: {  	[tilespmem:$0x183F0] =	vst v1  }
0x61: {  	[bflag:$0x0] =	sbarrier.arrive $0xFFFF  }
0x62: {  	s31 =	sadd.s32 $0xFFFFFFFF, s16;
	p1 =	por $0x0, $0x0;
	s30 =	smov.u32 s20  }
0x63: {  	s30 =	sadd.s32 $0xFFFFFFF0, s20  }
0x64: {  	[tilespmem:s24], [sflag:$0x2] =	stream.linear.gather [hbm4b:s30+s5], $0x80, $0x38;
	[tilespmem:$0x18400] =	vst v63  }
0x65: {  	_ =	swait.ge [sflag:s22], $0x80  }
0x66: {  	[sflag:s22] =	ssyncset.done $0x0  }
0x67: {  	[sflag:s22] =	ssyncadd.s32 $0xFFFFFF80  }
0x68: {  	[tilespmem:s25], [sflag:$0x2] =	stream.linear.gather [hbm4b:s20+s5], $0x80, $0x38;
	[tilespmem:$0x18400] =	vst v63  }
0x69: {  	_ =	swait.ge [sflag:s22], $0x80  }
0x6a: {  	[sflag:s22] =	ssyncset.done $0x0  }
0x6b: {  	[sflag:s22] =	ssyncadd.s32 $0xFFFFFF80  }
0x6c: {  	[tilespmem:s21], [sflag:$0x1] =	stream.indirect.gather [hbm4b:s0+s26], $0x80, s25, s26, $0xb8;
	[tilespmem:$0x18400] =	vst v63  }
0x6d: {  	_ =	swait.ge [sflag:s28], $0x4000  }
0x6e: {  	[sflag:s28] =	ssyncset.done $0x0  }
0x6f: {  	[sflag:s28] =	ssyncadd.s32 $0xFFFFC000  }
0x70: {  	[spmem:s3] =	stream.indirect.scatter.add.f32 [tilespmem:s21], [sflag:$0x2], $0x80, s24, s26, $0xb8;
	[tilespmem:$0x18400] =	vst v63  }
0x71: {  	p2 =	sne.s32 s31, $0x1;
	_ =	swait.ge [sflag:s22], $0x4000  }
.Ltmp2:
0x72: {  	[sflag:s22] =	ssyncset.done $0x0;
	(pc) =	sbr.rel @!p2 .LBB2_6-.Ltmp2, $4  }
0x73: {  	[sflag:s22] =	ssyncadd.s32 $0xFFFFC000  }
0x74: {  	[spmem:s4] =	stream.indirect.scatter.add.f32 [tilespmem:s23], [sflag:$0x2], $0x1, s24, s26, $0xb8;
	[tilespmem:$0x18400] =	vst v63  }
0x75: {  	s31 =	sadd.s32 $0xFFFFFFFF, s31;
	_ =	swait.ge [sflag:s22], $0x80  }
0x76: {  	p1 =	por $0x1, $0x1;
	s30 =	sadd.s32 $0x200, s20;
	[sflag:s22] =	ssyncset.done $0x0  }
.LBB2_5:
0x77: {  	p2 =	sne.s32 s31, $0x1;
	s2 =	sadd.s32 $0xFFFFFFF0, s30;
	[sflag:s22] =	ssyncadd.s32 $0xFFFFFF80  }
0x78: {  	[tilespmem:s24], [sflag:$0x2] =	stream.linear.gather [hbm4b:s2+s5], $0x80, $0x38;
	[tilespmem:$0x18400] =	vst v63  }
0x79: {  	s31 =	sadd.s32 $0xFFFFFFFF, s31;
	_ =	swait.ge [sflag:s22], $0x80  }
0x7a: {  	[sflag:s22] =	ssyncset.done $0x0  }
0x7b: {  	[sflag:s22] =	ssyncadd.s32 $0xFFFFFF80  }
0x7c: {  	[tilespmem:s25], [sflag:$0x2] =	stream.linear.gather [hbm4b:s30+s5], $0x80, $0x38;
	[tilespmem:$0x18400] =	vst v63  }
0x7d: {  	_ =	swait.ge [sflag:s22], $0x80  }
0x7e: {  	[sflag:s22] =	ssyncset.done $0x0  }
0x7f: {  	[sflag:s22] =	ssyncadd.s32 $0xFFFFFF80  }
0x80: {  	[tilespmem:s21], [sflag:$0x1] =	stream.indirect.gather [hbm4b:s0+s26], $0x80, s25, s26, $0xb8;
	[tilespmem:$0x18400] =	vst v63  }
0x81: {  	_ =	swait.ge [sflag:s28], $0x4000  }
0x82: {  	[sflag:s28] =	ssyncset.done $0x0  }
0x83: {  	[sflag:s28] =	ssyncadd.s32 $0xFFFFC000  }
0x84: {  	[spmem:s3] =	stream.indirect.scatter.add.f32 [tilespmem:s21], [sflag:$0x2], $0x80, s24, s26, $0xb8;
	[tilespmem:$0x18400] =	vst v63  }
0x85: {  	_ =	swait.ge [sflag:s22], $0x4000  }
.Ltmp3:
0x86: {  	[sflag:s22] =	ssyncset.done $0x0;
	(pc) =	sbr.rel @p2 .LBB2_5-.Ltmp3, $4  }
0x87: {  	[sflag:s22] =	ssyncadd.s32 $0xFFFFC000  }
0x88: {  	[spmem:s4] =	stream.indirect.scatter.add.f32 [tilespmem:s23], [sflag:$0x2], $0x1, s24, s26, $0xb8;
	[tilespmem:$0x18400] =	vst v63  }
0x89: {  	_ =	swait.ge [sflag:s22], $0x80  }
0x8a: {  	s30 =	sadd.s32 $0x200, s30;
	[sflag:s22] =	ssyncset.done $0x0  }
.LBB2_6:
0x8b: {  	s2 =	sadd.s32 $0xFFFFFFF0, s30;
	[sflag:s22] =	ssyncadd.s32 @p1 $0xFFFFFF80  }
0x8c: {  	[tilespmem:s24], [sflag:$0x2] =	stream.linear.gather [hbm4b:s2+s5], $0x80, $0x38;
	[tilespmem:$0x18400] =	vst v63  }
0x8d: {  	_ =	swait.ge [sflag:s22], $0x80  }
0x8e: {  	[sflag:s22] =	ssyncset.done $0x0  }
0x8f: {  	[sflag:s22] =	ssyncadd.s32 $0xFFFFFF80  }
0x90: {  	[tilespmem:s25], [sflag:$0x2] =	stream.linear.gather [hbm4b:s30+s5], $0x80, $0x38;
	[tilespmem:$0x18400] =	vst v63  }
0x91: {  	_ =	swait.ge [sflag:s22], $0x80  }
0x92: {  	[sflag:s22] =	ssyncset.done $0x0  }
0x93: {  	[sflag:s22] =	ssyncadd.s32 $0xFFFFFF80  }
0x94: {  	[tilespmem:s21], [sflag:$0x1] =	stream.indirect.gather [hbm4b:s0+s26], $0x80, s25, s26, $0xb8;
	[tilespmem:$0x18400] =	vst v63  }
0x95: {  	_ =	swait.ge [sflag:s28], $0x4000  }
0x96: {  	[sflag:s28] =	ssyncset.done $0x0  }
0x97: {  	[sflag:s28] =	ssyncadd.s32 $0xFFFFC000  }
0x98: {  	[spmem:s3] =	stream.indirect.scatter.add.f32 [tilespmem:s21], [sflag:$0x2], $0x80, s24, s26, $0xb8;
	[tilespmem:$0x18400] =	vst v63  }
0x99: {  	_ =	swait.ge [sflag:s22], $0x4000  }
0x9a: {  	[sflag:s22] =	ssyncset.done $0x0  }
0x9b: {  	[sflag:s22] =	ssyncadd.s32 $0xFFFFC000  }
0x9c: {  	[spmem:s4] =	stream.indirect.scatter.add.f32 [tilespmem:s23], [sflag:$0x2], $0x1, s24, s26, $0xb8;
	[tilespmem:$0x18400] =	vst v63  }
0x9d: {  	_ =	swait.ge [sflag:s22], $0x80  }
0x9e: {  	[sflag:s22] =	ssyncset.done $0x0  }
0x9f: {  	s30 =	sshll.u32 s1, $0x6;
	[sflag:s22] =	ssyncadd.s32 $0xFFFFFF80  }
0xa0: {  	s31 =	sshrl.u32 s6, $0x3;
	s2 =	sor.u32 $0x1C02, s30;
	[bflag:$0x0] =	sbarrier.arrive $0xFFFF  }
0xa1: {  	[hbm:s17], [sflag:s2] =	dma.local [spmem:s31], $0x2800  }
0xa2: {  	_ =	swait.ge [sflag:s22], $0x2800  }
0xa3: {  	s29 =	sadd.s32 $0x1, s29;
	[sflag:s22] =	ssyncset.done $0x0  }
0xa4: {  	p1 =	sne.s32 s29, s19;
	s30 =	sshrl.u32 @!p0 s7, $0x3;
	[sflag:s22] =	ssyncadd.s32 $0xFFFFD800  }
0xa5: {  	[hbm:s18], [sflag:s2] =	dma.local @!p0 [spmem:s30], $0x50  }
.Ltmp4:
0xa6: {  	_ = 	snop;
	(pc) =	sbr.rel @p1 .LBB2_1-.Ltmp4, $4  }
0xa7: {  	s2 =	simm.s32 @!p0 $0x2  }
0xa8: {  	_ =	swait.ge @!p0 [sflag:s2], $0x50  }
0xa9: {  	[sflag:s2] =	ssyncset.done @!p0 $0x0  }
0xaa: {  	[sflag:s2] =	ssyncadd.s32 @!p0 $0xFFFFFFB0  }
0xab: {  	_ =	sfence.sel $0x180000  }
0xac: {  	[bflag:$0x0] =	sbarrier.arrive $0xFFFF  }
0xad: {  	_ =	strace $0x90000047  }
0xae: {  	[bflag:$0x2] =	sbarrier.arrive $0xFFFF  }
0xaf: {  	p0 =	sne.s32 s1, $0x0;
	s0 =	rddreg [dreg:$0x5]  }
0xb0: {  	s0 =	sadd.s32 @!p0 $0x100000, s0  }
0xb1: {  	[sflag:s0] =	ssyncadd.tile.s32 @!p0 $0x1;
	_ =	shalt  }
.Lfunc_end2:
_tile_overlayer_lowered:
.L_overlay_start_2:
0xb2: {  	(tag) =	ssettag $0x2  }
0xb3: {  	s0 =	rddreg [dreg:$0x0];
	s2 =	stileid.u32  }
0xb4: {  	s1 =	rddreg [dreg:$0x1];
	p0 =	sne.s32 s2, $0x0  }
0xb5: {  	s3 =	rddreg [dreg:$0x2];
	[bflag:$0x3] =	sbarrier.arrive $0xFFFF;
	s2 =	simm.s32 @!p0 $0x1C02  }
0xb6: {  	[timem:s3], [sflag:s2] =	dma.local @!p0 [hbm:s0], s1  }
0xb7: {  	s0 =	simm.s32 @!p0 $0x2  }
0xb8: {  	_ =	swait.ge @!p0 [sflag:s0], s1  }
0xb9: {  	s1 =	ssub.s32 @!p0 $0x0, s1;
	[sflag:s0] =	ssyncset.done @!p0 $0x0  }
0xba: {  	[sflag:s0] =	ssyncadd.s32 @!p0 s1  }
0xbb: {  	[bflag:$0x3] =	sbarrier.arrive $0xFFFF  }
0xbc: {  	_ =	shalt  }

</sc_bundles>
